<compile_context>
chip_gen: v7x
topology: tpu7x:2x2x1
jax: 0.10.2.dev20260603
libtpu: 0.0.44.dev20260713+nightly
codegen_flags: <defaults>
</compile_context>

<pallas_src>
import functools

import jax
import jax.numpy as jnp
from jax import lax
from jax.experimental import pallas as pl
from jax.experimental.pallas import tpu as pltpu
from jax.experimental.pallas import tpu_sc as plsc


def _pos_emb(max_pos, hidden):
    inv_freq = 1.0 / (10000.0 ** (jnp.arange(0, hidden, 2, dtype=jnp.float32) / hidden))
    position = jnp.arange(max_pos, dtype=jnp.float32)
    sinusoid = position[:, None] * inv_freq[None, :]
    return jnp.concatenate([jnp.sin(sinusoid), jnp.cos(sinusoid)], axis=-1)


def _lengths_sc(nl, nw, nc, bpw):

    def body(maskT_hbm, out_hbm, v_mask, v_acc):
        wid = lax.axis_index("s") * nc + lax.axis_index("c")
        pltpu.sync_copy(maskT_hbm.at[:, wid], v_mask)
        for h in range(bpw // 16):
            acc = jnp.zeros((16,), jnp.float32)
            for l in range(nl):
                acc = acc + v_mask[l, h * 16 : (h + 1) * 16]
            v_acc[h * 16 : (h + 1) * 16] = acc
        pltpu.sync_copy(v_acc, out_hbm.at[pl.ds(wid * bpw, bpw)])

    return body


def _const_kernel(eq_ref, wt_ref, b_ref, o_ref):
    o_ref[...] = (
        jnp.dot(eq_ref[...], wt_ref[...], preferred_element_type=jnp.float32)
        + b_ref[...]
    )


def _sentw_kernel(s_ref, wt_ref, o_ref):
    y = jnp.dot(
        s_ref[...].astype(jnp.bfloat16),
        wt_ref[...],
        preferred_element_type=jnp.float32,
    )
    o_ref[...] = y[:, None, :]


def _main_kernel(lens_ref, a_ref, sw_ref, wt_ref, c_ref, o_ref, *, bb, nl, q):
    out_dim = o_ref.shape[-1]
    lens = lens_ref[...].astype(jnp.int32)
    y = jnp.dot(a_ref[...], wt_ref[...], preferred_element_type=jnp.float32)
    l_iota = jax.lax.broadcasted_iota(jnp.int32, (nl, 1), 0)
    c = c_ref[...]
    zeros_tail = jnp.zeros((q - 1 - nl, out_dim), jnp.float32)
    for j in range(bb):
        y0j = sw_ref[j]
        ysel = jnp.where(l_iota >= lens[j : j + 1, 0:1], y0j, y[j * nl : (j + 1) * nl])
        o_ref[j] = jnp.concatenate([y0j, ysel, zeros_tail], axis=0) + c


def kernel(lang_feat, lang_sent, lang_mask, learnable_query, proj_w, proj_b):
    b, d, nl = lang_feat.shape
    out_dim = proj_w.shape[0]
    learn = learnable_query.shape[0]
    q = 1 + nl + learn

    wtb = proj_w.T.astype(jnp.bfloat16)
    emb = _pos_emb(q, d)
    embq = (emb.at[1 + nl :].add(learnable_query)).astype(jnp.bfloat16)
    bias2 = proj_b[None, :]
    af = jnp.swapaxes(lang_feat, 1, 2).astype(jnp.bfloat16).reshape(b * nl, d)

    info = plsc.get_sparse_core_info()
    nc, ns = info.num_cores, info.num_subcores
    nw = nc * ns
    bpw = b // nw
    maskT3 = jnp.transpose(lang_mask[..., 0]).reshape(nl, nw, bpw)
    lens_fn = functools.partial(
        pl.kernel,
        mesh=plsc.VectorSubcoreMesh(core_axis_name="c", subcore_axis_name="s"),
        out_type=jax.ShapeDtypeStruct((b,), jnp.float32),
        scratch_types=[
            pltpu.VMEM((nl, bpw), jnp.float32),
            pltpu.VMEM((bpw,), jnp.float32),
        ],
    )(_lengths_sc(nl, nw, nc, bpw))
    lens2 = lens_fn(maskT3).reshape(b, 1)

    const = pl.pallas_call(
        _const_kernel,
        out_shape=jax.ShapeDtypeStruct((q, out_dim), jnp.float32),
    )(embq, wtb, bias2)

    sb = min(256, b)
    sentw3 = pl.pallas_call(
        _sentw_kernel,
        grid=(b // sb,),
        in_specs=[
            pl.BlockSpec((sb, d), lambda i: (i, 0)),
            pl.BlockSpec((d, out_dim), lambda i: (0, 0)),
        ],
        out_specs=pl.BlockSpec((sb, 1, out_dim), lambda i: (i, 0, 0)),
        out_shape=jax.ShapeDtypeStruct((b, 1, out_dim), jnp.float32),
        compiler_params=pltpu.CompilerParams(
            dimension_semantics=("parallel",),
        ),
    )(lang_sent, wtb)

    bb = 16
    out = pl.pallas_call(
        functools.partial(_main_kernel, bb=bb, nl=nl, q=q),
        grid=(b // bb,),
        in_specs=[
            pl.BlockSpec((bb, 1), lambda i: (i, 0)),
            pl.BlockSpec((bb * nl, d), lambda i: (i, 0)),
            pl.BlockSpec((bb, 1, out_dim), lambda i: (i, 0, 0)),
            pl.BlockSpec((d, out_dim), lambda i: (0, 0)),
            pl.BlockSpec((q, out_dim), lambda i: (0, 0)),
        ],
        out_specs=pl.BlockSpec((bb, q, out_dim), lambda i: (i, 0, 0)),
        out_shape=jax.ShapeDtypeStruct((b, q, out_dim), jnp.float32),
        compiler_params=pltpu.CompilerParams(
            dimension_semantics=("parallel",),
        ),
    )(lens2, af, sentw3, wtb, const)
    return out

# --- scband reference (transcript-rebuilt; emitter-appended) ---
"""Pipeline reference for scband-query-embedding-padding-simple-28063316312654 (READ-ONLY COPY).

The authoritative reference and input builder live on the scoring server;
editing this copy changes nothing except your own understanding.
"""

import jax, jax.numpy as jnp
import numpy as np

B = 1024
NL = 50
D = 4096
OUT = 1024
Q = 64
LEARN = Q - 1 - NL  # 13
MAX_POS = 64


def _pos_embeddings(max_pos, hidden):
    inv_freq = 1.0 / (10000.0 ** (jnp.arange(0, hidden, 2, dtype=jnp.float32) / hidden))
    position = jnp.arange(max_pos, dtype=jnp.float32)
    sinusoid = position[:, None] * inv_freq[None, :]
    return jnp.concatenate([jnp.sin(sinusoid), jnp.cos(sinusoid)], axis=-1)


def setup_inputs(seed: int = 0) -> dict:
    key = jax.random.key(seed)
    k1, k2, k3, k4, k5 = jax.random.split(key, 5)
    lang_feat = jax.random.normal(k1, (B, D, NL), dtype=jnp.float32)
    lang_sent = jax.random.normal(k2, (B, D), dtype=jnp.float32)
    lang_mask = jax.random.randint(k3, (B, NL, 1), 0, 2).astype(jnp.float32)
    learnable_query = jax.random.normal(k4, (LEARN, D), dtype=jnp.float32) * 0.02
    proj_w = jax.random.normal(k5, (OUT, D), dtype=jnp.float32) * 0.02
    proj_b = jnp.zeros((OUT,), dtype=jnp.float32)
    return {"lang_feat": lang_feat, "lang_sent": lang_sent, "lang_mask": lang_mask,
            "learnable_query": learnable_query, "proj_w": proj_w, "proj_b": proj_b}


def reference(lang_feat, lang_sent, lang_mask, learnable_query, proj_w, proj_b):
    # rearrange b d l -> b l d
    x = jnp.transpose(lang_feat, (0, 2, 1))
    b, l, d = x.shape
    # padding: positions >= length get overwritten with lang_sent
    lengths = jnp.sum(lang_mask[..., 0], axis=1).astype(jnp.int32)
    cond = jnp.arange(l, dtype=jnp.int32)[None, :] >= lengths[:, None]
    x = jnp.where(cond[..., None], lang_sent[:, None, :], x)
    # concat [sent, feat, learnable queries]
    lq = jnp.broadcast_to(learnable_query[None, :, :], (b, LEARN, d))
    feat = jnp.concatenate([lang_sent[:, None, :], x, lq], axis=1)  # [B, Q, D]
    # fixed absolute position embedding (additive)
    emb = _pos_embeddings(MAX_POS, D)
    feat = feat + emb[None, :feat.shape[1], :]
    # projection (dropout is identity with p=0)
    out = feat @ proj_w.T + proj_b
    return out

if __name__ == "__main__":
    import jax
    _d = setup_inputs()
    print(jax.jit(kernel)(*tuple(_d.values())))

</pallas_src>

<mosaic_0001>
#map = affine_map<(d0, d1) -> (0, 0, 0)>
#map1 = affine_map<(d0, d1) -> (0)>
module attributes {stable_mosaic.version = 14 : i64} {
  func.func @body(%arg0: i32, %arg1: i32, %arg2: memref<50x32x32xf32, #tpu.memory_space<hbm>>, %arg3: memref<1024xf32, #tpu.memory_space<hbm>>, %arg4: memref<50x32xf32, #tpu.memory_space<vmem>>, %arg5: memref<32xf32, #tpu.memory_space<vmem>>) attributes {dimension_semantics = [#tpu.dimension_semantics<core_parallel>, #tpu.dimension_semantics<subcore_parallel>], iteration_bounds = array<i64: 2, 16>, scalar_prefetch = 0 : i64, scratch_operands = 2 : i64, tpu.core_type = #tpu.core_type<sc_vector_subcore>, window_params = [{transform_indices = #map}, {transform_indices = #map1}]} {
    %mul3A = arith.constant 2 : i32
    %mul3A_0 = arith.muli %arg1, %mul3A : i32
    %add3A = arith.addi %mul3A_0, %arg0 : i32
    "tpu.region"() ({
      %run_scoped3A = tpu.sem_alloc : memref<!tpu.dma_semaphore, #tpu.memory_space<semaphore_mem>>
      %dma_start3A = arith.constant 0 : i32
      %dma_start3A_612 = arith.constant 0 : i32
      %dma_start3A_613 = tpu.memref_slice %arg2[%dma_start3A, %add3A, %dma_start3A_612] : memref<50x32x32xf32, #tpu.memory_space<hbm>> -> memref<50x1x32xf32, #tpu.memory_space<hbm>>
      %dma_start3A_614 = tpu.memref_squeeze %dma_start3A_613 : memref<50x1x32xf32, #tpu.memory_space<hbm>> -> memref<50x32xf32, #tpu.memory_space<hbm>>
      %dma_start3A_615 = arith.constant 0 : i32
      %dma_start3A_616 = arith.constant 0 : i32
      %dma_start3A_617 = tpu.memref_slice %arg2[%dma_start3A_615, %add3A, %dma_start3A_616] : memref<50x32x32xf32, #tpu.memory_space<hbm>> -> memref<50x1x32xf32, #tpu.memory_space<hbm>>
      %dma_start3A_618 = tpu.memref_squeeze %dma_start3A_617 : memref<50x1x32xf32, #tpu.memory_space<hbm>> -> memref<50x32xf32, #tpu.memory_space<hbm>>
      tpu.enqueue_dma source(%dma_start3A_618 : memref<50x32xf32, #tpu.memory_space<hbm>>) target(%arg4 : memref<50x32xf32, #tpu.memory_space<vmem>>) target_semaphore(%run_scoped3A : memref<!tpu.dma_semaphore, #tpu.memory_space<semaphore_mem>>)
      %dma_wait3A = arith.constant 0 : i32
      %dma_wait3A_619 = arith.constant 0 : i32
      %dma_wait3A_620 = tpu.memref_slice %arg2[%dma_wait3A, %add3A, %dma_wait3A_619] : memref<50x32x32xf32, #tpu.memory_space<hbm>> -> memref<50x1x32xf32, #tpu.memory_space<hbm>>
      %dma_wait3A_621 = tpu.memref_squeeze %dma_wait3A_620 : memref<50x1x32xf32, #tpu.memory_space<hbm>> -> memref<50x32xf32, #tpu.memory_space<hbm>>
      %dma_wait3A_622 = arith.constant 0 : i32
      %dma_wait3A_623 = arith.constant 0 : i32
      %dma_wait3A_624 = tpu.memref_slice %arg2[%dma_wait3A_622, %add3A, %dma_wait3A_623] : memref<50x32x32xf32, #tpu.memory_space<hbm>> -> memref<50x1x32xf32, #tpu.memory_space<hbm>>
      %dma_wait3A_625 = tpu.memref_squeeze %dma_wait3A_624 : memref<50x1x32xf32, #tpu.memory_space<hbm>> -> memref<50x32xf32, #tpu.memory_space<hbm>>
      tpu.wait_dma2 semaphore(%run_scoped3A : memref<!tpu.dma_semaphore, #tpu.memory_space<semaphore_mem>>) src(%dma_wait3A_625 : memref<50x32xf32, #tpu.memory_space<hbm>>) dst(%arg4 : memref<50x32xf32, #tpu.memory_space<vmem>>)
      tpu.yield
    }) : () -> ()
    %broadcast_in_dim3A = arith.constant 0.000000e+00 : f32
    %broadcast_in_dim3A_1 = vector.broadcast %broadcast_in_dim3A : f32 to vector<16xf32>
    %get3A = arith.constant 0 : i32
    %get3A_2 = arith.index_cast %get3A : i32 to index
    %get3A_3 = arith.constant 0 : index
    %get3A_4 = tpu.vector_load %arg4[%get3A_2, %get3A_3] {strides = array<i32>} : memref<50x32xf32, #tpu.memory_space<vmem>>, vector<1x16xf32>,
    %get3A_5 = vector.shape_cast %get3A_4 : vector<1x16xf32> to vector<16xf32>
    %add3A_6 = arith.addf %broadcast_in_dim3A_1, %get3A_5 : vector<16xf32>
    %get3A_7 = arith.constant 1 : i32
    %get3A_8 = arith.index_cast %get3A_7 : i32 to index
    %get3A_9 = arith.constant 0 : index
    %get3A_10 = tpu.vector_load %arg4[%get3A_8, %get3A_9] {strides = array<i32>} : memref<50x32xf32, #tpu.memory_space<vmem>>, vector<1x16xf32>,
    %get3A_11 = vector.shape_cast %get3A_10 : vector<1x16xf32> to vector<16xf32>
    %add3A_12 = arith.addf %add3A_6, %get3A_11 : vector<16xf32>
    %get3A_13 = arith.constant 2 : i32
    %get3A_14 = arith.index_cast %get3A_13 : i32 to index
    %get3A_15 = arith.constant 0 : index
    %get3A_16 = tpu.vector_load %arg4[%get3A_14, %get3A_15] {strides = array<i32>} : memref<50x32xf32, #tpu.memory_space<vmem>>, vector<1x16xf32>,
    %get3A_17 = vector.shape_cast %get3A_16 : vector<1x16xf32> to vector<16xf32>
    %add3A_18 = arith.addf %add3A_12, %get3A_17 : vector<16xf32>
    %get3A_19 = arith.constant 3 : i32
    %get3A_20 = arith.index_cast %get3A_19 : i32 to index
    %get3A_21 = arith.constant 0 : index
    %get3A_22 = tpu.vector_load %arg4[%get3A_20, %get3A_21] {strides = array<i32>} : memref<50x32xf32, #tpu.memory_space<vmem>>, vector<1x16xf32>,
    %get3A_23 = vector.shape_cast %get3A_22 : vector<1x16xf32> to vector<16xf32>
    %add3A_24 = arith.addf %add3A_18, %get3A_23 : vector<16xf32>
    %get3A_25 = arith.constant 4 : i32
    %get3A_26 = arith.index_cast %get3A_25 : i32 to index
    %get3A_27 = arith.constant 0 : index
    %get3A_28 = tpu.vector_load %arg4[%get3A_26, %get3A_27] {strides = array<i32>} : memref<50x32xf32, #tpu.memory_space<vmem>>, vector<1x16xf32>,
    %get3A_29 = vector.shape_cast %get3A_28 : vector<1x16xf32> to vector<16xf32>
    %add3A_30 = arith.addf %add3A_24, %get3A_29 : vector<16xf32>
    %get3A_31 = arith.constant 5 : i32
    %get3A_32 = arith.index_cast %get3A_31 : i32 to index
    %get3A_33 = arith.constant 0 : index
    %get3A_34 = tpu.vector_load %arg4[%get3A_32, %get3A_33] {strides = array<i32>} : memref<50x32xf32, #tpu.memory_space<vmem>>, vector<1x16xf32>,
    %get3A_35 = vector.shape_cast %get3A_34 : vector<1x16xf32> to vector<16xf32>
    %add3A_36 = arith.addf %add3A_30, %get3A_35 : vector<16xf32>
    %get3A_37 = arith.constant 6 : i32
    %get3A_38 = arith.index_cast %get3A_37 : i32 to index
    %get3A_39 = arith.constant 0 : index
    %get3A_40 = tpu.vector_load %arg4[%get3A_38, %get3A_39] {strides = array<i32>} : memref<50x32xf32, #tpu.memory_space<vmem>>, vector<1x16xf32>,
    %get3A_41 = vector.shape_cast %get3A_40 : vector<1x16xf32> to vector<16xf32>
    %add3A_42 = arith.addf %add3A_36, %get3A_41 : vector<16xf32>
    %get3A_43 = arith.constant 7 : i32
    %get3A_44 = arith.index_cast %get3A_43 : i32 to index
    %get3A_45 = arith.constant 0 : index
    %get3A_46 = tpu.vector_load %arg4[%get3A_44, %get3A_45] {strides = array<i32>} : memref<50x32xf32, #tpu.memory_space<vmem>>, vector<1x16xf32>,
    %get3A_47 = vector.shape_cast %get3A_46 : vector<1x16xf32> to vector<16xf32>
    %add3A_48 = arith.addf %add3A_42, %get3A_47 : vector<16xf32>
    %get3A_49 = arith.constant 8 : i32
    %get3A_50 = arith.index_cast %get3A_49 : i32 to index
    %get3A_51 = arith.constant 0 : index
    %get3A_52 = tpu.vector_load %arg4[%get3A_50, %get3A_51] {strides = array<i32>} : memref<50x32xf32, #tpu.memory_space<vmem>>, vector<1x16xf32>,
    %get3A_53 = vector.shape_cast %get3A_52 : vector<1x16xf32> to vector<16xf32>
    %add3A_54 = arith.addf %add3A_48, %get3A_53 : vector<16xf32>
    %get3A_55 = arith.constant 9 : i32
    %get3A_56 = arith.index_cast %get3A_55 : i32 to index
    %get3A_57 = arith.constant 0 : index
    %get3A_58 = tpu.vector_load %arg4[%get3A_56, %get3A_57] {strides = array<i32>} : memref<50x32xf32, #tpu.memory_space<vmem>>, vector<1x16xf32>,
    %get3A_59 = vector.shape_cast %get3A_58 : vector<1x16xf32> to vector<16xf32>
    %add3A_60 = arith.addf %add3A_54, %get3A_59 : vector<16xf32>
    %get3A_61 = arith.constant 10 : i32
    %get3A_62 = arith.index_cast %get3A_61 : i32 to index
    %get3A_63 = arith.constant 0 : index
    %get3A_64 = tpu.vector_load %arg4[%get3A_62, %get3A_63] {strides = array<i32>} : memref<50x32xf32, #tpu.memory_space<vmem>>, vector<1x16xf32>,
    %get3A_65 = vector.shape_cast %get3A_64 : vector<1x16xf32> to vector<16xf32>
    %add3A_66 = arith.addf %add3A_60, %get3A_65 : vector<16xf32>
    %get3A_67 = arith.constant 11 : i32
    %get3A_68 = arith.index_cast %get3A_67 : i32 to index
    %get3A_69 = arith.constant 0 : index
    %get3A_70 = tpu.vector_load %arg4[%get3A_68, %get3A_69] {strides = array<i32>} : memref<50x32xf32, #tpu.memory_space<vmem>>, vector<1x16xf32>,
    %get3A_71 = vector.shape_cast %get3A_70 : vector<1x16xf32> to vector<16xf32>
    %add3A_72 = arith.addf %add3A_66, %get3A_71 : vector<16xf32>
    %get3A_73 = arith.constant 12 : i32
    %get3A_74 = arith.index_cast %get3A_73 : i32 to index
    %get3A_75 = arith.constant 0 : index
    %get3A_76 = tpu.vector_load %arg4[%get3A_74, %get3A_75] {strides = array<i32>} : memref<50x32xf32, #tpu.memory_space<vmem>>, vector<1x16xf32>,
    %get3A_77 = vector.shape_cast %get3A_76 : vector<1x16xf32> to vector<16xf32>
    %add3A_78 = arith.addf %add3A_72, %get3A_77 : vector<16xf32>
    %get3A_79 = arith.constant 13 : i32
    %get3A_80 = arith.index_cast %get3A_79 : i32 to index
    %get3A_81 = arith.constant 0 : index
    %get3A_82 = tpu.vector_load %arg4[%get3A_80, %get3A_81] {strides = array<i32>} : memref<50x32xf32, #tpu.memory_space<vmem>>, vector<1x16xf32>,
    %get3A_83 = vector.shape_cast %get3A_82 : vector<1x16xf32> to vector<16xf32>
    %add3A_84 = arith.addf %add3A_78, %get3A_83 : vector<16xf32>
    %get3A_85 = arith.constant 14 : i32
    %get3A_86 = arith.index_cast %get3A_85 : i32 to index
    %get3A_87 = arith.constant 0 : index
    %get3A_88 = tpu.vector_load %arg4[%get3A_86, %get3A_87] {strides = array<i32>} : memref<50x32xf32, #tpu.memory_space<vmem>>, vector<1x16xf32>,
    %get3A_89 = vector.shape_cast %get3A_88 : vector<1x16xf32> to vector<16xf32>
    %add3A_90 = arith.addf %add3A_84, %get3A_89 : vector<16xf32>
    %get3A_91 = arith.constant 15 : i32
    %get3A_92 = arith.index_cast %get3A_91 : i32 to index
    %get3A_93 = arith.constant 0 : index
    %get3A_94 = tpu.vector_load %arg4[%get3A_92, %get3A_93] {strides = array<i32>} : memref<50x32xf32, #tpu.memory_space<vmem>>, vector<1x16xf32>,
    %get3A_95 = vector.shape_cast %get3A_94 : vector<1x16xf32> to vector<16xf32>
    %add3A_96 = arith.addf %add3A_90, %get3A_95 : vector<16xf32>
    %get3A_97 = arith.constant 16 : i32
    %get3A_98 = arith.index_cast %get3A_97 : i32 to index
    %get3A_99 = arith.constant 0 : index
    %get3A_100 = tpu.vector_load %arg4[%get3A_98, %get3A_99] {strides = array<i32>} : memref<50x32xf32, #tpu.memory_space<vmem>>, vector<1x16xf32>,
    %get3A_101 = vector.shape_cast %get3A_100 : vector<1x16xf32> to vector<16xf32>
    %add3A_102 = arith.addf %add3A_96, %get3A_101 : vector<16xf32>
    %get3A_103 = arith.constant 17 : i32
    %get3A_104 = arith.index_cast %get3A_103 : i32 to index
    %get3A_105 = arith.constant 0 : index
    %get3A_106 = tpu.vector_load %arg4[%get3A_104, %get3A_105] {strides = array<i32>} : memref<50x32xf32, #tpu.memory_space<vmem>>, vector<1x16xf32>,
    %get3A_107 = vector.shape_cast %get3A_106 : vector<1x16xf32> to vector<16xf32>
    %add3A_108 = arith.addf %add3A_102, %get3A_107 : vector<16xf32>
    %get3A_109 = arith.constant 18 : i32
    %get3A_110 = arith.index_cast %get3A_109 : i32 to index
    %get3A_111 = arith.constant 0 : index
    %get3A_112 = tpu.vector_load %arg4[%get3A_110, %get3A_111] {strides = array<i32>} : memref<50x32xf32, #tpu.memory_space<vmem>>, vector<1x16xf32>,
    %get3A_113 = vector.shape_cast %get3A_112 : vector<1x16xf32> to vector<16xf32>
    %add3A_114 = arith.addf %add3A_108, %get3A_113 : vector<16xf32>
    %get3A_115 = arith.constant 19 : i32
    %get3A_116 = arith.index_cast %get3A_115 : i32 to index
    %get3A_117 = arith.constant 0 : index
    %get3A_118 = tpu.vector_load %arg4[%get3A_116, %get3A_117] {strides = array<i32>} : memref<50x32xf32, #tpu.memory_space<vmem>>, vector<1x16xf32>,
    %get3A_119 = vector.shape_cast %get3A_118 : vector<1x16xf32> to vector<16xf32>
    %add3A_120 = arith.addf %add3A_114, %get3A_119 : vector<16xf32>
    %get3A_121 = arith.constant 20 : i32
    %get3A_122 = arith.index_cast %get3A_121 : i32 to index
    %get3A_123 = arith.constant 0 : index
    %get3A_124 = tpu.vector_load %arg4[%get3A_122, %get3A_123] {strides = array<i32>} : memref<50x32xf32, #tpu.memory_space<vmem>>, vector<1x16xf32>,
    %get3A_125 = vector.shape_cast %get3A_124 : vector<1x16xf32> to vector<16xf32>
    %add3A_126 = arith.addf %add3A_120, %get3A_125 : vector<16xf32>
    %get3A_127 = arith.constant 21 : i32
    %get3A_128 = arith.index_cast %get3A_127 : i32 to index
    %get3A_129 = arith.constant 0 : index
    %get3A_130 = tpu.vector_load %arg4[%get3A_128, %get3A_129] {strides = array<i32>} : memref<50x32xf32, #tpu.memory_space<vmem>>, vector<1x16xf32>,
    %get3A_131 = vector.shape_cast %get3A_130 : vector<1x16xf32> to vector<16xf32>
    %add3A_132 = arith.addf %add3A_126, %get3A_131 : vector<16xf32>
    %get3A_133 = arith.constant 22 : i32
    %get3A_134 = arith.index_cast %get3A_133 : i32 to index
    %get3A_135 = arith.constant 0 : index
    %get3A_136 = tpu.vector_load %arg4[%get3A_134, %get3A_135] {strides = array<i32>} : memref<50x32xf32, #tpu.memory_space<vmem>>, vector<1x16xf32>,
    %get3A_137 = vector.shape_cast %get3A_136 : vector<1x16xf32> to vector<16xf32>
    %add3A_138 = arith.addf %add3A_132, %get3A_137 : vector<16xf32>
    %get3A_139 = arith.constant 23 : i32
    %get3A_140 = arith.index_cast %get3A_139 : i32 to index
    %get3A_141 = arith.constant 0 : index
    %get3A_142 = tpu.vector_load %arg4[%get3A_140, %get3A_141] {strides = array<i32>} : memref<50x32xf32, #tpu.memory_space<vmem>>, vector<1x16xf32>,
    %get3A_143 = vector.shape_cast %get3A_142 : vector<1x16xf32> to vector<16xf32>
    %add3A_144 = arith.addf %add3A_138, %get3A_143 : vector<16xf32>
    %get3A_145 = arith.constant 24 : i32
    %get3A_146 = arith.index_cast %get3A_145 : i32 to index
    %get3A_147 = arith.constant 0 : index
    %get3A_148 = tpu.vector_load %arg4[%get3A_146, %get3A_147] {strides = array<i32>} : memref<50x32xf32, #tpu.memory_space<vmem>>, vector<1x16xf32>,
    %get3A_149 = vector.shape_cast %get3A_148 : vector<1x16xf32> to vector<16xf32>
    %add3A_150 = arith.addf %add3A_144, %get3A_149 : vector<16xf32>
    %get3A_151 = arith.constant 25 : i32
    %get3A_152 = arith.index_cast %get3A_151 : i32 to index
    %get3A_153 = arith.constant 0 : index
    %get3A_154 = tpu.vector_load %arg4[%get3A_152, %get3A_153] {strides = array<i32>} : memref<50x32xf32, #tpu.memory_space<vmem>>, vector<1x16xf32>,
    %get3A_155 = vector.shape_cast %get3A_154 : vector<1x16xf32> to vector<16xf32>
    %add3A_156 = arith.addf %add3A_150, %get3A_155 : vector<16xf32>
    %get3A_157 = arith.constant 26 : i32
    %get3A_158 = arith.index_cast %get3A_157 : i32 to index
    %get3A_159 = arith.constant 0 : index
    %get3A_160 = tpu.vector_load %arg4[%get3A_158, %get3A_159] {strides = array<i32>} : memref<50x32xf32, #tpu.memory_space<vmem>>, vector<1x16xf32>,
    %get3A_161 = vector.shape_cast %get3A_160 : vector<1x16xf32> to vector<16xf32>
    %add3A_162 = arith.addf %add3A_156, %get3A_161 : vector<16xf32>
    %get3A_163 = arith.constant 27 : i32
    %get3A_164 = arith.index_cast %get3A_163 : i32 to index
    %get3A_165 = arith.constant 0 : index
    %get3A_166 = tpu.vector_load %arg4[%get3A_164, %get3A_165] {strides = array<i32>} : memref<50x32xf32, #tpu.memory_space<vmem>>, vector<1x16xf32>,
    %get3A_167 = vector.shape_cast %get3A_166 : vector<1x16xf32> to vector<16xf32>
    %add3A_168 = arith.addf %add3A_162, %get3A_167 : vector<16xf32>
    %get3A_169 = arith.constant 28 : i32
    %get3A_170 = arith.index_cast %get3A_169 : i32 to index
    %get3A_171 = arith.constant 0 : index
    %get3A_172 = tpu.vector_load %arg4[%get3A_170, %get3A_171] {strides = array<i32>} : memref<50x32xf32, #tpu.memory_space<vmem>>, vector<1x16xf32>,
    %get3A_173 = vector.shape_cast %get3A_172 : vector<1x16xf32> to vector<16xf32>
    %add3A_174 = arith.addf %add3A_168, %get3A_173 : vector<16xf32>
    %get3A_175 = arith.constant 29 : i32
    %get3A_176 = arith.index_cast %get3A_175 : i32 to index
    %get3A_177 = arith.constant 0 : index
    %get3A_178 = tpu.vector_load %arg4[%get3A_176, %get3A_177] {strides = array<i32>} : memref<50x32xf32, #tpu.memory_space<vmem>>, vector<1x16xf32>,
    %get3A_179 = vector.shape_cast %get3A_178 : vector<1x16xf32> to vector<16xf32>
    %add3A_180 = arith.addf %add3A_174, %get3A_179 : vector<16xf32>
    %get3A_181 = arith.constant 30 : i32
    %get3A_182 = arith.index_cast %get3A_181 : i32 to index
    %get3A_183 = arith.constant 0 : index
    %get3A_184 = tpu.vector_load %arg4[%get3A_182, %get3A_183] {strides = array<i32>} : memref<50x32xf32, #tpu.memory_space<vmem>>, vector<1x16xf32>,
    %get3A_185 = vector.shape_cast %get3A_184 : vector<1x16xf32> to vector<16xf32>
    %add3A_186 = arith.addf %add3A_180, %get3A_185 : vector<16xf32>
    %get3A_187 = arith.constant 31 : i32
    %get3A_188 = arith.index_cast %get3A_187 : i32 to index
    %get3A_189 = arith.constant 0 : index
    %get3A_190 = tpu.vector_load %arg4[%get3A_188, %get3A_189] {strides = array<i32>} : memref<50x32xf32, #tpu.memory_space<vmem>>, vector<1x16xf32>,
    %get3A_191 = vector.shape_cast %get3A_190 : vector<1x16xf32> to vector<16xf32>
    %add3A_192 = arith.addf %add3A_186, %get3A_191 : vector<16xf32>
    %get3A_193 = arith.constant 32 : i32
    %get3A_194 = arith.index_cast %get3A_193 : i32 to index
    %get3A_195 = arith.constant 0 : index
    %get3A_196 = tpu.vector_load %arg4[%get3A_194, %get3A_195] {strides = array<i32>} : memref<50x32xf32, #tpu.memory_space<vmem>>, vector<1x16xf32>,
    %get3A_197 = vector.shape_cast %get3A_196 : vector<1x16xf32> to vector<16xf32>
    %add3A_198 = arith.addf %add3A_192, %get3A_197 : vector<16xf32>
    %get3A_199 = arith.constant 33 : i32
    %get3A_200 = arith.index_cast %get3A_199 : i32 to index
    %get3A_201 = arith.constant 0 : index
    %get3A_202 = tpu.vector_load %arg4[%get3A_200, %get3A_201] {strides = array<i32>} : memref<50x32xf32, #tpu.memory_space<vmem>>, vector<1x16xf32>,
    %get3A_203 = vector.shape_cast %get3A_202 : vector<1x16xf32> to vector<16xf32>
    %add3A_204 = arith.addf %add3A_198, %get3A_203 : vector<16xf32>
    %get3A_205 = arith.constant 34 : i32
    %get3A_206 = arith.index_cast %get3A_205 : i32 to index
    %get3A_207 = arith.constant 0 : index
    %get3A_208 = tpu.vector_load %arg4[%get3A_206, %get3A_207] {strides = array<i32>} : memref<50x32xf32, #tpu.memory_space<vmem>>, vector<1x16xf32>,
    %get3A_209 = vector.shape_cast %get3A_208 : vector<1x16xf32> to vector<16xf32>
    %add3A_210 = arith.addf %add3A_204, %get3A_209 : vector<16xf32>
    %get3A_211 = arith.constant 35 : i32
    %get3A_212 = arith.index_cast %get3A_211 : i32 to index
    %get3A_213 = arith.constant 0 : index
    %get3A_214 = tpu.vector_load %arg4[%get3A_212, %get3A_213] {strides = array<i32>} : memref<50x32xf32, #tpu.memory_space<vmem>>, vector<1x16xf32>,
    %get3A_215 = vector.shape_cast %get3A_214 : vector<1x16xf32> to vector<16xf32>
    %add3A_216 = arith.addf %add3A_210, %get3A_215 : vector<16xf32>
    %get3A_217 = arith.constant 36 : i32
    %get3A_218 = arith.index_cast %get3A_217 : i32 to index
    %get3A_219 = arith.constant 0 : index
    %get3A_220 = tpu.vector_load %arg4[%get3A_218, %get3A_219] {strides = array<i32>} : memref<50x32xf32, #tpu.memory_space<vmem>>, vector<1x16xf32>,
    %get3A_221 = vector.shape_cast %get3A_220 : vector<1x16xf32> to vector<16xf32>
    %add3A_222 = arith.addf %add3A_216, %get3A_221 : vector<16xf32>
    %get3A_223 = arith.constant 37 : i32
    %get3A_224 = arith.index_cast %get3A_223 : i32 to index
    %get3A_225 = arith.constant 0 : index
    %get3A_226 = tpu.vector_load %arg4[%get3A_224, %get3A_225] {strides = array<i32>} : memref<50x32xf32, #tpu.memory_space<vmem>>, vector<1x16xf32>,
    %get3A_227 = vector.shape_cast %get3A_226 : vector<1x16xf32> to vector<16xf32>
    %add3A_228 = arith.addf %add3A_222, %get3A_227 : vector<16xf32>
    %get3A_229 = arith.constant 38 : i32
    %get3A_230 = arith.index_cast %get3A_229 : i32 to index
    %get3A_231 = arith.constant 0 : index
    %get3A_232 = tpu.vector_load %arg4[%get3A_230, %get3A_231] {strides = array<i32>} : memref<50x32xf32, #tpu.memory_space<vmem>>, vector<1x16xf32>,
    %get3A_233 = vector.shape_cast %get3A_232 : vector<1x16xf32> to vector<16xf32>
    %add3A_234 = arith.addf %add3A_228, %get3A_233 : vector<16xf32>
    %get3A_235 = arith.constant 39 : i32
    %get3A_236 = arith.index_cast %get3A_235 : i32 to index
    %get3A_237 = arith.constant 0 : index
    %get3A_238 = tpu.vector_load %arg4[%get3A_236, %get3A_237] {strides = array<i32>} : memref<50x32xf32, #tpu.memory_space<vmem>>, vector<1x16xf32>,
    %get3A_239 = vector.shape_cast %get3A_238 : vector<1x16xf32> to vector<16xf32>
    %add3A_240 = arith.addf %add3A_234, %get3A_239 : vector<16xf32>
    %get3A_241 = arith.constant 40 : i32
    %get3A_242 = arith.index_cast %get3A_241 : i32 to index
    %get3A_243 = arith.constant 0 : index
    %get3A_244 = tpu.vector_load %arg4[%get3A_242, %get3A_243] {strides = array<i32>} : memref<50x32xf32, #tpu.memory_space<vmem>>, vector<1x16xf32>,
    %get3A_245 = vector.shape_cast %get3A_244 : vector<1x16xf32> to vector<16xf32>
    %add3A_246 = arith.addf %add3A_240, %get3A_245 : vector<16xf32>
    %get3A_247 = arith.constant 41 : i32
    %get3A_248 = arith.index_cast %get3A_247 : i32 to index
    %get3A_249 = arith.constant 0 : index
    %get3A_250 = tpu.vector_load %arg4[%get3A_248, %get3A_249] {strides = array<i32>} : memref<50x32xf32, #tpu.memory_space<vmem>>, vector<1x16xf32>,
    %get3A_251 = vector.shape_cast %get3A_250 : vector<1x16xf32> to vector<16xf32>
    %add3A_252 = arith.addf %add3A_246, %get3A_251 : vector<16xf32>
    %get3A_253 = arith.constant 42 : i32
    %get3A_254 = arith.index_cast %get3A_253 : i32 to index
    %get3A_255 = arith.constant 0 : index
    %get3A_256 = tpu.vector_load %arg4[%get3A_254, %get3A_255] {strides = array<i32>} : memref<50x32xf32, #tpu.memory_space<vmem>>, vector<1x16xf32>,
    %get3A_257 = vector.shape_cast %get3A_256 : vector<1x16xf32> to vector<16xf32>
    %add3A_258 = arith.addf %add3A_252, %get3A_257 : vector<16xf32>
    %get3A_259 = arith.constant 43 : i32
    %get3A_260 = arith.index_cast %get3A_259 : i32 to index
    %get3A_261 = arith.constant 0 : index
    %get3A_262 = tpu.vector_load %arg4[%get3A_260, %get3A_261] {strides = array<i32>} : memref<50x32xf32, #tpu.memory_space<vmem>>, vector<1x16xf32>,
    %get3A_263 = vector.shape_cast %get3A_262 : vector<1x16xf32> to vector<16xf32>
    %add3A_264 = arith.addf %add3A_258, %get3A_263 : vector<16xf32>
    %get3A_265 = arith.constant 44 : i32
    %get3A_266 = arith.index_cast %get3A_265 : i32 to index
    %get3A_267 = arith.constant 0 : index
    %get3A_268 = tpu.vector_load %arg4[%get3A_266, %get3A_267] {strides = array<i32>} : memref<50x32xf32, #tpu.memory_space<vmem>>, vector<1x16xf32>,
    %get3A_269 = vector.shape_cast %get3A_268 : vector<1x16xf32> to vector<16xf32>
    %add3A_270 = arith.addf %add3A_264, %get3A_269 : vector<16xf32>
    %get3A_271 = arith.constant 45 : i32
    %get3A_272 = arith.index_cast %get3A_271 : i32 to index
    %get3A_273 = arith.constant 0 : index
    %get3A_274 = tpu.vector_load %arg4[%get3A_272, %get3A_273] {strides = array<i32>} : memref<50x32xf32, #tpu.memory_space<vmem>>, vector<1x16xf32>,
    %get3A_275 = vector.shape_cast %get3A_274 : vector<1x16xf32> to vector<16xf32>
    %add3A_276 = arith.addf %add3A_270, %get3A_275 : vector<16xf32>
    %get3A_277 = arith.constant 46 : i32
    %get3A_278 = arith.index_cast %get3A_277 : i32 to index
    %get3A_279 = arith.constant 0 : index
    %get3A_280 = tpu.vector_load %arg4[%get3A_278, %get3A_279] {strides = array<i32>} : memref<50x32xf32, #tpu.memory_space<vmem>>, vector<1x16xf32>,
    %get3A_281 = vector.shape_cast %get3A_280 : vector<1x16xf32> to vector<16xf32>
    %add3A_282 = arith.addf %add3A_276, %get3A_281 : vector<16xf32>
    %get3A_283 = arith.constant 47 : i32
    %get3A_284 = arith.index_cast %get3A_283 : i32 to index
    %get3A_285 = arith.constant 0 : index
    %get3A_286 = tpu.vector_load %arg4[%get3A_284, %get3A_285] {strides = array<i32>} : memref<50x32xf32, #tpu.memory_space<vmem>>, vector<1x16xf32>,
    %get3A_287 = vector.shape_cast %get3A_286 : vector<1x16xf32> to vector<16xf32>
    %add3A_288 = arith.addf %add3A_282, %get3A_287 : vector<16xf32>
    %get3A_289 = arith.constant 48 : i32
    %get3A_290 = arith.index_cast %get3A_289 : i32 to index
    %get3A_291 = arith.constant 0 : index
    %get3A_292 = tpu.vector_load %arg4[%get3A_290, %get3A_291] {strides = array<i32>} : memref<50x32xf32, #tpu.memory_space<vmem>>, vector<1x16xf32>,
    %get3A_293 = vector.shape_cast %get3A_292 : vector<1x16xf32> to vector<16xf32>
    %add3A_294 = arith.addf %add3A_288, %get3A_293 : vector<16xf32>
    %get3A_295 = arith.constant 49 : i32
    %get3A_296 = arith.index_cast %get3A_295 : i32 to index
    %get3A_297 = arith.constant 0 : index
    %get3A_298 = tpu.vector_load %arg4[%get3A_296, %get3A_297] {strides = array<i32>} : memref<50x32xf32, #tpu.memory_space<vmem>>, vector<1x16xf32>,
    %get3A_299 = vector.shape_cast %get3A_298 : vector<1x16xf32> to vector<16xf32>
    %add3A_300 = arith.addf %add3A_294, %get3A_299 : vector<16xf32>
    %swap3A = arith.constant 0 : index
    %swap3A_301 = tpu.vector_load %arg5[%swap3A] {strides = array<i32>} : memref<32xf32, #tpu.memory_space<vmem>>, vector<16xf32>,
    %swap3A_302 = vector.shape_cast %swap3A_301 : vector<16xf32> to vector<16xf32>
    %swap3A_303 = vector.shape_cast %add3A_300 : vector<16xf32> to vector<16xf32>
    tpu.vector_store %arg5[%swap3A], %swap3A_303 {strides = array<i32>} : memref<32xf32, #tpu.memory_space<vmem>>, vector<16xf32>,
    %broadcast_in_dim3A_304 = arith.constant 0.000000e+00 : f32
    %broadcast_in_dim3A_305 = vector.broadcast %broadcast_in_dim3A_304 : f32 to vector<16xf32>
    %get3A_306 = arith.constant 0 : i32
    %get3A_307 = arith.index_cast %get3A_306 : i32 to index
    %get3A_308 = arith.constant 16 : index
    %get3A_309 = tpu.vector_load %arg4[%get3A_307, %get3A_308] {strides = array<i32>} : memref<50x32xf32, #tpu.memory_space<vmem>>, vector<1x16xf32>,
    %get3A_310 = vector.shape_cast %get3A_309 : vector<1x16xf32> to vector<16xf32>
    %add3A_311 = arith.addf %broadcast_in_dim3A_305, %get3A_310 : vector<16xf32>
    %get3A_312 = arith.constant 1 : i32
    %get3A_313 = arith.index_cast %get3A_312 : i32 to index
    %get3A_314 = arith.constant 16 : index
    %get3A_315 = tpu.vector_load %arg4[%get3A_313, %get3A_314] {strides = array<i32>} : memref<50x32xf32, #tpu.memory_space<vmem>>, vector<1x16xf32>,
    %get3A_316 = vector.shape_cast %get3A_315 : vector<1x16xf32> to vector<16xf32>
    %add3A_317 = arith.addf %add3A_311, %get3A_316 : vector<16xf32>
    %get3A_318 = arith.constant 2 : i32
    %get3A_319 = arith.index_cast %get3A_318 : i32 to index
    %get3A_320 = arith.constant 16 : index
    %get3A_321 = tpu.vector_load %arg4[%get3A_319, %get3A_320] {strides = array<i32>} : memref<50x32xf32, #tpu.memory_space<vmem>>, vector<1x16xf32>,
    %get3A_322 = vector.shape_cast %get3A_321 : vector<1x16xf32> to vector<16xf32>
    %add3A_323 = arith.addf %add3A_317, %get3A_322 : vector<16xf32>
    %get3A_324 = arith.constant 3 : i32
    %get3A_325 = arith.index_cast %get3A_324 : i32 to index
    %get3A_326 = arith.constant 16 : index
    %get3A_327 = tpu.vector_load %arg4[%get3A_325, %get3A_326] {strides = array<i32>} : memref<50x32xf32, #tpu.memory_space<vmem>>, vector<1x16xf32>,
    %get3A_328 = vector.shape_cast %get3A_327 : vector<1x16xf32> to vector<16xf32>
    %add3A_329 = arith.addf %add3A_323, %get3A_328 : vector<16xf32>
    %get3A_330 = arith.constant 4 : i32
    %get3A_331 = arith.index_cast %get3A_330 : i32 to index
    %get3A_332 = arith.constant 16 : index
    %get3A_333 = tpu.vector_load %arg4[%get3A_331, %get3A_332] {strides = array<i32>} : memref<50x32xf32, #tpu.memory_space<vmem>>, vector<1x16xf32>,
    %get3A_334 = vector.shape_cast %get3A_333 : vector<1x16xf32> to vector<16xf32>
    %add3A_335 = arith.addf %add3A_329, %get3A_334 : vector<16xf32>
    %get3A_336 = arith.constant 5 : i32
    %get3A_337 = arith.index_cast %get3A_336 : i32 to index
    %get3A_338 = arith.constant 16 : index
    %get3A_339 = tpu.vector_load %arg4[%get3A_337, %get3A_338] {strides = array<i32>} : memref<50x32xf32, #tpu.memory_space<vmem>>, vector<1x16xf32>,
    %get3A_340 = vector.shape_cast %get3A_339 : vector<1x16xf32> to vector<16xf32>
    %add3A_341 = arith.addf %add3A_335, %get3A_340 : vector<16xf32>
    %get3A_342 = arith.constant 6 : i32
    %get3A_343 = arith.index_cast %get3A_342 : i32 to index
    %get3A_344 = arith.constant 16 : index
    %get3A_345 = tpu.vector_load %arg4[%get3A_343, %get3A_344] {strides = array<i32>} : memref<50x32xf32, #tpu.memory_space<vmem>>, vector<1x16xf32>,
    %get3A_346 = vector.shape_cast %get3A_345 : vector<1x16xf32> to vector<16xf32>
    %add3A_347 = arith.addf %add3A_341, %get3A_346 : vector<16xf32>
    %get3A_348 = arith.constant 7 : i32
    %get3A_349 = arith.index_cast %get3A_348 : i32 to index
    %get3A_350 = arith.constant 16 : index
    %get3A_351 = tpu.vector_load %arg4[%get3A_349, %get3A_350] {strides = array<i32>} : memref<50x32xf32, #tpu.memory_space<vmem>>, vector<1x16xf32>,
    %get3A_352 = vector.shape_cast %get3A_351 : vector<1x16xf32> to vector<16xf32>
    %add3A_353 = arith.addf %add3A_347, %get3A_352 : vector<16xf32>
    %get3A_354 = arith.constant 8 : i32
    %get3A_355 = arith.index_cast %get3A_354 : i32 to index
    %get3A_356 = arith.constant 16 : index
    %get3A_357 = tpu.vector_load %arg4[%get3A_355, %get3A_356] {strides = array<i32>} : memref<50x32xf32, #tpu.memory_space<vmem>>, vector<1x16xf32>,
    %get3A_358 = vector.shape_cast %get3A_357 : vector<1x16xf32> to vector<16xf32>
    %add3A_359 = arith.addf %add3A_353, %get3A_358 : vector<16xf32>
    %get3A_360 = arith.constant 9 : i32
    %get3A_361 = arith.index_cast %get3A_360 : i32 to index
    %get3A_362 = arith.constant 16 : index
    %get3A_363 = tpu.vector_load %arg4[%get3A_361, %get3A_362] {strides = array<i32>} : memref<50x32xf32, #tpu.memory_space<vmem>>, vector<1x16xf32>,
    %get3A_364 = vector.shape_cast %get3A_363 : vector<1x16xf32> to vector<16xf32>
    %add3A_365 = arith.addf %add3A_359, %get3A_364 : vector<16xf32>
    %get3A_366 = arith.constant 10 : i32
    %get3A_367 = arith.index_cast %get3A_366 : i32 to index
    %get3A_368 = arith.constant 16 : index
    %get3A_369 = tpu.vector_load %arg4[%get3A_367, %get3A_368] {strides = array<i32>} : memref<50x32xf32, #tpu.memory_space<vmem>>, vector<1x16xf32>,
    %get3A_370 = vector.shape_cast %get3A_369 : vector<1x16xf32> to vector<16xf32>
    %add3A_371 = arith.addf %add3A_365, %get3A_370 : vector<16xf32>
    %get3A_372 = arith.constant 11 : i32
    %get3A_373 = arith.index_cast %get3A_372 : i32 to index
    %get3A_374 = arith.constant 16 : index
    %get3A_375 = tpu.vector_load %arg4[%get3A_373, %get3A_374] {strides = array<i32>} : memref<50x32xf32, #tpu.memory_space<vmem>>, vector<1x16xf32>,
    %get3A_376 = vector.shape_cast %get3A_375 : vector<1x16xf32> to vector<16xf32>
    %add3A_377 = arith.addf %add3A_371, %get3A_376 : vector<16xf32>
    %get3A_378 = arith.constant 12 : i32
    %get3A_379 = arith.index_cast %get3A_378 : i32 to index
    %get3A_380 = arith.constant 16 : index
    %get3A_381 = tpu.vector_load %arg4[%get3A_379, %get3A_380] {strides = array<i32>} : memref<50x32xf32, #tpu.memory_space<vmem>>, vector<1x16xf32>,
    %get3A_382 = vector.shape_cast %get3A_381 : vector<1x16xf32> to vector<16xf32>
    %add3A_383 = arith.addf %add3A_377, %get3A_382 : vector<16xf32>
    %get3A_384 = arith.constant 13 : i32
    %get3A_385 = arith.index_cast %get3A_384 : i32 to index
    %get3A_386 = arith.constant 16 : index
    %get3A_387 = tpu.vector_load %arg4[%get3A_385, %get3A_386] {strides = array<i32>} : memref<50x32xf32, #tpu.memory_space<vmem>>, vector<1x16xf32>,
    %get3A_388 = vector.shape_cast %get3A_387 : vector<1x16xf32> to vector<16xf32>
    %add3A_389 = arith.addf %add3A_383, %get3A_388 : vector<16xf32>
    %get3A_390 = arith.constant 14 : i32
    %get3A_391 = arith.index_cast %get3A_390 : i32 to index
    %get3A_392 = arith.constant 16 : index
    %get3A_393 = tpu.vector_load %arg4[%get3A_391, %get3A_392] {strides = array<i32>} : memref<50x32xf32, #tpu.memory_space<vmem>>, vector<1x16xf32>,
    %get3A_394 = vector.shape_cast %get3A_393 : vector<1x16xf32> to vector<16xf32>
    %add3A_395 = arith.addf %add3A_389, %get3A_394 : vector<16xf32>
    %get3A_396 = arith.constant 15 : i32
    %get3A_397 = arith.index_cast %get3A_396 : i32 to index
    %get3A_398 = arith.constant 16 : index
    %get3A_399 = tpu.vector_load %arg4[%get3A_397, %get3A_398] {strides = array<i32>} : memref<50x32xf32, #tpu.memory_space<vmem>>, vector<1x16xf32>,
    %get3A_400 = vector.shape_cast %get3A_399 : vector<1x16xf32> to vector<16xf32>
    %add3A_401 = arith.addf %add3A_395, %get3A_400 : vector<16xf32>
    %get3A_402 = arith.constant 16 : i32
    %get3A_403 = arith.index_cast %get3A_402 : i32 to index
    %get3A_404 = arith.constant 16 : index
    %get3A_405 = tpu.vector_load %arg4[%get3A_403, %get3A_404] {strides = array<i32>} : memref<50x32xf32, #tpu.memory_space<vmem>>, vector<1x16xf32>,
    %get3A_406 = vector.shape_cast %get3A_405 : vector<1x16xf32> to vector<16xf32>
    %add3A_407 = arith.addf %add3A_401, %get3A_406 : vector<16xf32>
    %get3A_408 = arith.constant 17 : i32
    %get3A_409 = arith.index_cast %get3A_408 : i32 to index
    %get3A_410 = arith.constant 16 : index
    %get3A_411 = tpu.vector_load %arg4[%get3A_409, %get3A_410] {strides = array<i32>} : memref<50x32xf32, #tpu.memory_space<vmem>>, vector<1x16xf32>,
    %get3A_412 = vector.shape_cast %get3A_411 : vector<1x16xf32> to vector<16xf32>
    %add3A_413 = arith.addf %add3A_407, %get3A_412 : vector<16xf32>
    %get3A_414 = arith.constant 18 : i32
    %get3A_415 = arith.index_cast %get3A_414 : i32 to index
    %get3A_416 = arith.constant 16 : index
    %get3A_417 = tpu.vector_load %arg4[%get3A_415, %get3A_416] {strides = array<i32>} : memref<50x32xf32, #tpu.memory_space<vmem>>, vector<1x16xf32>,
    %get3A_418 = vector.shape_cast %get3A_417 : vector<1x16xf32> to vector<16xf32>
    %add3A_419 = arith.addf %add3A_413, %get3A_418 : vector<16xf32>
    %get3A_420 = arith.constant 19 : i32
    %get3A_421 = arith.index_cast %get3A_420 : i32 to index
    %get3A_422 = arith.constant 16 : index
    %get3A_423 = tpu.vector_load %arg4[%get3A_421, %get3A_422] {strides = array<i32>} : memref<50x32xf32, #tpu.memory_space<vmem>>, vector<1x16xf32>,
    %get3A_424 = vector.shape_cast %get3A_423 : vector<1x16xf32> to vector<16xf32>
    %add3A_425 = arith.addf %add3A_419, %get3A_424 : vector<16xf32>
    %get3A_426 = arith.constant 20 : i32
    %get3A_427 = arith.index_cast %get3A_426 : i32 to index
    %get3A_428 = arith.constant 16 : index
    %get3A_429 = tpu.vector_load %arg4[%get3A_427, %get3A_428] {strides = array<i32>} : memref<50x32xf32, #tpu.memory_space<vmem>>, vector<1x16xf32>,
    %get3A_430 = vector.shape_cast %get3A_429 : vector<1x16xf32> to vector<16xf32>
    %add3A_431 = arith.addf %add3A_425, %get3A_430 : vector<16xf32>
    %get3A_432 = arith.constant 21 : i32
    %get3A_433 = arith.index_cast %get3A_432 : i32 to index
    %get3A_434 = arith.constant 16 : index
    %get3A_435 = tpu.vector_load %arg4[%get3A_433, %get3A_434] {strides = array<i32>} : memref<50x32xf32, #tpu.memory_space<vmem>>, vector<1x16xf32>,
    %get3A_436 = vector.shape_cast %get3A_435 : vector<1x16xf32> to vector<16xf32>
    %add3A_437 = arith.addf %add3A_431, %get3A_436 : vector<16xf32>
    %get3A_438 = arith.constant 22 : i32
    %get3A_439 = arith.index_cast %get3A_438 : i32 to index
    %get3A_440 = arith.constant 16 : index
    %get3A_441 = tpu.vector_load %arg4[%get3A_439, %get3A_440] {strides = array<i32>} : memref<50x32xf32, #tpu.memory_space<vmem>>, vector<1x16xf32>,
    %get3A_442 = vector.shape_cast %get3A_441 : vector<1x16xf32> to vector<16xf32>
    %add3A_443 = arith.addf %add3A_437, %get3A_442 : vector<16xf32>
    %get3A_444 = arith.constant 23 : i32
    %get3A_445 = arith.index_cast %get3A_444 : i32 to index
    %get3A_446 = arith.constant 16 : index
    %get3A_447 = tpu.vector_load %arg4[%get3A_445, %get3A_446] {strides = array<i32>} : memref<50x32xf32, #tpu.memory_space<vmem>>, vector<1x16xf32>,
    %get3A_448 = vector.shape_cast %get3A_447 : vector<1x16xf32> to vector<16xf32>
    %add3A_449 = arith.addf %add3A_443, %get3A_448 : vector<16xf32>
    %get3A_450 = arith.constant 24 : i32
    %get3A_451 = arith.index_cast %get3A_450 : i32 to index
    %get3A_452 = arith.constant 16 : index
    %get3A_453 = tpu.vector_load %arg4[%get3A_451, %get3A_452] {strides = array<i32>} : memref<50x32xf32, #tpu.memory_space<vmem>>, vector<1x16xf32>,
    %get3A_454 = vector.shape_cast %get3A_453 : vector<1x16xf32> to vector<16xf32>
    %add3A_455 = arith.addf %add3A_449, %get3A_454 : vector<16xf32>
    %get3A_456 = arith.constant 25 : i32
    %get3A_457 = arith.index_cast %get3A_456 : i32 to index
    %get3A_458 = arith.constant 16 : index
    %get3A_459 = tpu.vector_load %arg4[%get3A_457, %get3A_458] {strides = array<i32>} : memref<50x32xf32, #tpu.memory_space<vmem>>, vector<1x16xf32>,
    %get3A_460 = vector.shape_cast %get3A_459 : vector<1x16xf32> to vector<16xf32>
    %add3A_461 = arith.addf %add3A_455, %get3A_460 : vector<16xf32>
    %get3A_462 = arith.constant 26 : i32
    %get3A_463 = arith.index_cast %get3A_462 : i32 to index
    %get3A_464 = arith.constant 16 : index
    %get3A_465 = tpu.vector_load %arg4[%get3A_463, %get3A_464] {strides = array<i32>} : memref<50x32xf32, #tpu.memory_space<vmem>>, vector<1x16xf32>,
    %get3A_466 = vector.shape_cast %get3A_465 : vector<1x16xf32> to vector<16xf32>
    %add3A_467 = arith.addf %add3A_461, %get3A_466 : vector<16xf32>
    %get3A_468 = arith.constant 27 : i32
    %get3A_469 = arith.index_cast %get3A_468 : i32 to index
    %get3A_470 = arith.constant 16 : index
    %get3A_471 = tpu.vector_load %arg4[%get3A_469, %get3A_470] {strides = array<i32>} : memref<50x32xf32, #tpu.memory_space<vmem>>, vector<1x16xf32>,
    %get3A_472 = vector.shape_cast %get3A_471 : vector<1x16xf32> to vector<16xf32>
    %add3A_473 = arith.addf %add3A_467, %get3A_472 : vector<16xf32>
    %get3A_474 = arith.constant 28 : i32
    %get3A_475 = arith.index_cast %get3A_474 : i32 to index
    %get3A_476 = arith.constant 16 : index
    %get3A_477 = tpu.vector_load %arg4[%get3A_475, %get3A_476] {strides = array<i32>} : memref<50x32xf32, #tpu.memory_space<vmem>>, vector<1x16xf32>,
    %get3A_478 = vector.shape_cast %get3A_477 : vector<1x16xf32> to vector<16xf32>
    %add3A_479 = arith.addf %add3A_473, %get3A_478 : vector<16xf32>
    %get3A_480 = arith.constant 29 : i32
    %get3A_481 = arith.index_cast %get3A_480 : i32 to index
    %get3A_482 = arith.constant 16 : index
    %get3A_483 = tpu.vector_load %arg4[%get3A_481, %get3A_482] {strides = array<i32>} : memref<50x32xf32, #tpu.memory_space<vmem>>, vector<1x16xf32>,
    %get3A_484 = vector.shape_cast %get3A_483 : vector<1x16xf32> to vector<16xf32>
    %add3A_485 = arith.addf %add3A_479, %get3A_484 : vector<16xf32>
    %get3A_486 = arith.constant 30 : i32
    %get3A_487 = arith.index_cast %get3A_486 : i32 to index
    %get3A_488 = arith.constant 16 : index
    %get3A_489 = tpu.vector_load %arg4[%get3A_487, %get3A_488] {strides = array<i32>} : memref<50x32xf32, #tpu.memory_space<vmem>>, vector<1x16xf32>,
    %get3A_490 = vector.shape_cast %get3A_489 : vector<1x16xf32> to vector<16xf32>
    %add3A_491 = arith.addf %add3A_485, %get3A_490 : vector<16xf32>
    %get3A_492 = arith.constant 31 : i32
    %get3A_493 = arith.index_cast %get3A_492 : i32 to index
    %get3A_494 = arith.constant 16 : index
    %get3A_495 = tpu.vector_load %arg4[%get3A_493, %get3A_494] {strides = array<i32>} : memref<50x32xf32, #tpu.memory_space<vmem>>, vector<1x16xf32>,
    %get3A_496 = vector.shape_cast %get3A_495 : vector<1x16xf32> to vector<16xf32>
    %add3A_497 = arith.addf %add3A_491, %get3A_496 : vector<16xf32>
    %get3A_498 = arith.constant 32 : i32
    %get3A_499 = arith.index_cast %get3A_498 : i32 to index
    %get3A_500 = arith.constant 16 : index
    %get3A_501 = tpu.vector_load %arg4[%get3A_499, %get3A_500] {strides = array<i32>} : memref<50x32xf32, #tpu.memory_space<vmem>>, vector<1x16xf32>,
    %get3A_502 = vector.shape_cast %get3A_501 : vector<1x16xf32> to vector<16xf32>
    %add3A_503 = arith.addf %add3A_497, %get3A_502 : vector<16xf32>
    %get3A_504 = arith.constant 33 : i32
    %get3A_505 = arith.index_cast %get3A_504 : i32 to index
    %get3A_506 = arith.constant 16 : index
    %get3A_507 = tpu.vector_load %arg4[%get3A_505, %get3A_506] {strides = array<i32>} : memref<50x32xf32, #tpu.memory_space<vmem>>, vector<1x16xf32>,
    %get3A_508 = vector.shape_cast %get3A_507 : vector<1x16xf32> to vector<16xf32>
    %add3A_509 = arith.addf %add3A_503, %get3A_508 : vector<16xf32>
    %get3A_510 = arith.constant 34 : i32
    %get3A_511 = arith.index_cast %get3A_510 : i32 to index
    %get3A_512 = arith.constant 16 : index
    %get3A_513 = tpu.vector_load %arg4[%get3A_511, %get3A_512] {strides = array<i32>} : memref<50x32xf32, #tpu.memory_space<vmem>>, vector<1x16xf32>,
    %get3A_514 = vector.shape_cast %get3A_513 : vector<1x16xf32> to vector<16xf32>
    %add3A_515 = arith.addf %add3A_509, %get3A_514 : vector<16xf32>
    %get3A_516 = arith.constant 35 : i32
    %get3A_517 = arith.index_cast %get3A_516 : i32 to index
    %get3A_518 = arith.constant 16 : index
    %get3A_519 = tpu.vector_load %arg4[%get3A_517, %get3A_518] {strides = array<i32>} : memref<50x32xf32, #tpu.memory_space<vmem>>, vector<1x16xf32>,
    %get3A_520 = vector.shape_cast %get3A_519 : vector<1x16xf32> to vector<16xf32>
    %add3A_521 = arith.addf %add3A_515, %get3A_520 : vector<16xf32>
    %get3A_522 = arith.constant 36 : i32
    %get3A_523 = arith.index_cast %get3A_522 : i32 to index
    %get3A_524 = arith.constant 16 : index
    %get3A_525 = tpu.vector_load %arg4[%get3A_523, %get3A_524] {strides = array<i32>} : memref<50x32xf32, #tpu.memory_space<vmem>>, vector<1x16xf32>,
    %get3A_526 = vector.shape_cast %get3A_525 : vector<1x16xf32> to vector<16xf32>
    %add3A_527 = arith.addf %add3A_521, %get3A_526 : vector<16xf32>
    %get3A_528 = arith.constant 37 : i32
    %get3A_529 = arith.index_cast %get3A_528 : i32 to index
    %get3A_530 = arith.constant 16 : index
    %get3A_531 = tpu.vector_load %arg4[%get3A_529, %get3A_530] {strides = array<i32>} : memref<50x32xf32, #tpu.memory_space<vmem>>, vector<1x16xf32>,
    %get3A_532 = vector.shape_cast %get3A_531 : vector<1x16xf32> to vector<16xf32>
    %add3A_533 = arith.addf %add3A_527, %get3A_532 : vector<16xf32>
    %get3A_534 = arith.constant 38 : i32
    %get3A_535 = arith.index_cast %get3A_534 : i32 to index
    %get3A_536 = arith.constant 16 : index
    %get3A_537 = tpu.vector_load %arg4[%get3A_535, %get3A_536] {strides = array<i32>} : memref<50x32xf32, #tpu.memory_space<vmem>>, vector<1x16xf32>,
    %get3A_538 = vector.shape_cast %get3A_537 : vector<1x16xf32> to vector<16xf32>
    %add3A_539 = arith.addf %add3A_533, %get3A_538 : vector<16xf32>
    %get3A_540 = arith.constant 39 : i32
    %get3A_541 = arith.index_cast %get3A_540 : i32 to index
    %get3A_542 = arith.constant 16 : index
    %get3A_543 = tpu.vector_load %arg4[%get3A_541, %get3A_542] {strides = array<i32>} : memref<50x32xf32, #tpu.memory_space<vmem>>, vector<1x16xf32>,
    %get3A_544 = vector.shape_cast %get3A_543 : vector<1x16xf32> to vector<16xf32>
    %add3A_545 = arith.addf %add3A_539, %get3A_544 : vector<16xf32>
    %get3A_546 = arith.constant 40 : i32
    %get3A_547 = arith.index_cast %get3A_546 : i32 to index
    %get3A_548 = arith.constant 16 : index
    %get3A_549 = tpu.vector_load %arg4[%get3A_547, %get3A_548] {strides = array<i32>} : memref<50x32xf32, #tpu.memory_space<vmem>>, vector<1x16xf32>,
    %get3A_550 = vector.shape_cast %get3A_549 : vector<1x16xf32> to vector<16xf32>
    %add3A_551 = arith.addf %add3A_545, %get3A_550 : vector<16xf32>
    %get3A_552 = arith.constant 41 : i32
    %get3A_553 = arith.index_cast %get3A_552 : i32 to index
    %get3A_554 = arith.constant 16 : index
    %get3A_555 = tpu.vector_load %arg4[%get3A_553, %get3A_554] {strides = array<i32>} : memref<50x32xf32, #tpu.memory_space<vmem>>, vector<1x16xf32>,
    %get3A_556 = vector.shape_cast %get3A_555 : vector<1x16xf32> to vector<16xf32>
    %add3A_557 = arith.addf %add3A_551, %get3A_556 : vector<16xf32>
    %get3A_558 = arith.constant 42 : i32
    %get3A_559 = arith.index_cast %get3A_558 : i32 to index
    %get3A_560 = arith.constant 16 : index
    %get3A_561 = tpu.vector_load %arg4[%get3A_559, %get3A_560] {strides = array<i32>} : memref<50x32xf32, #tpu.memory_space<vmem>>, vector<1x16xf32>,
    %get3A_562 = vector.shape_cast %get3A_561 : vector<1x16xf32> to vector<16xf32>
    %add3A_563 = arith.addf %add3A_557, %get3A_562 : vector<16xf32>
    %get3A_564 = arith.constant 43 : i32
    %get3A_565 = arith.index_cast %get3A_564 : i32 to index
    %get3A_566 = arith.constant 16 : index
    %get3A_567 = tpu.vector_load %arg4[%get3A_565, %get3A_566] {strides = array<i32>} : memref<50x32xf32, #tpu.memory_space<vmem>>, vector<1x16xf32>,
    %get3A_568 = vector.shape_cast %get3A_567 : vector<1x16xf32> to vector<16xf32>
    %add3A_569 = arith.addf %add3A_563, %get3A_568 : vector<16xf32>
    %get3A_570 = arith.constant 44 : i32
    %get3A_571 = arith.index_cast %get3A_570 : i32 to index
    %get3A_572 = arith.constant 16 : index
    %get3A_573 = tpu.vector_load %arg4[%get3A_571, %get3A_572] {strides = array<i32>} : memref<50x32xf32, #tpu.memory_space<vmem>>, vector<1x16xf32>,
    %get3A_574 = vector.shape_cast %get3A_573 : vector<1x16xf32> to vector<16xf32>
    %add3A_575 = arith.addf %add3A_569, %get3A_574 : vector<16xf32>
    %get3A_576 = arith.constant 45 : i32
    %get3A_577 = arith.index_cast %get3A_576 : i32 to index
    %get3A_578 = arith.constant 16 : index
    %get3A_579 = tpu.vector_load %arg4[%get3A_577, %get3A_578] {strides = array<i32>} : memref<50x32xf32, #tpu.memory_space<vmem>>, vector<1x16xf32>,
    %get3A_580 = vector.shape_cast %get3A_579 : vector<1x16xf32> to vector<16xf32>
    %add3A_581 = arith.addf %add3A_575, %get3A_580 : vector<16xf32>
    %get3A_582 = arith.constant 46 : i32
    %get3A_583 = arith.index_cast %get3A_582 : i32 to index
    %get3A_584 = arith.constant 16 : index
    %get3A_585 = tpu.vector_load %arg4[%get3A_583, %get3A_584] {strides = array<i32>} : memref<50x32xf32, #tpu.memory_space<vmem>>, vector<1x16xf32>,
    %get3A_586 = vector.shape_cast %get3A_585 : vector<1x16xf32> to vector<16xf32>
    %add3A_587 = arith.addf %add3A_581, %get3A_586 : vector<16xf32>
    %get3A_588 = arith.constant 47 : i32
    %get3A_589 = arith.index_cast %get3A_588 : i32 to index
    %get3A_590 = arith.constant 16 : index
    %get3A_591 = tpu.vector_load %arg4[%get3A_589, %get3A_590] {strides = array<i32>} : memref<50x32xf32, #tpu.memory_space<vmem>>, vector<1x16xf32>,
    %get3A_592 = vector.shape_cast %get3A_591 : vector<1x16xf32> to vector<16xf32>
    %add3A_593 = arith.addf %add3A_587, %get3A_592 : vector<16xf32>
    %get3A_594 = arith.constant 48 : i32
    %get3A_595 = arith.index_cast %get3A_594 : i32 to index
    %get3A_596 = arith.constant 16 : index
    %get3A_597 = tpu.vector_load %arg4[%get3A_595, %get3A_596] {strides = array<i32>} : memref<50x32xf32, #tpu.memory_space<vmem>>, vector<1x16xf32>,
    %get3A_598 = vector.shape_cast %get3A_597 : vector<1x16xf32> to vector<16xf32>
    %add3A_599 = arith.addf %add3A_593, %get3A_598 : vector<16xf32>
    %get3A_600 = arith.constant 49 : i32
    %get3A_601 = arith.index_cast %get3A_600 : i32 to index
    %get3A_602 = arith.constant 16 : index
    %get3A_603 = tpu.vector_load %arg4[%get3A_601, %get3A_602] {strides = array<i32>} : memref<50x32xf32, #tpu.memory_space<vmem>>, vector<1x16xf32>,
    %get3A_604 = vector.shape_cast %get3A_603 : vector<1x16xf32> to vector<16xf32>
    %add3A_605 = arith.addf %add3A_599, %get3A_604 : vector<16xf32>
    %swap3A_606 = arith.constant 16 : index
    %swap3A_607 = tpu.vector_load %arg5[%swap3A_606] {strides = array<i32>} : memref<32xf32, #tpu.memory_space<vmem>>, vector<16xf32>,
    %swap3A_608 = vector.shape_cast %swap3A_607 : vector<16xf32> to vector<16xf32>
    %swap3A_609 = vector.shape_cast %add3A_605 : vector<16xf32> to vector<16xf32>
    tpu.vector_store %arg5[%swap3A_606], %swap3A_609 {strides = array<i32>} : memref<32xf32, #tpu.memory_space<vmem>>, vector<16xf32>,
    %mul3A_610 = arith.constant 32 : i32
    %mul3A_611 = arith.muli %add3A, %mul3A_610 : i32
    "tpu.region"() ({
      %run_scoped3A = tpu.sem_alloc : memref<!tpu.dma_semaphore, #tpu.memory_space<semaphore_mem>>
      %dma_start3A = tpu.memref_slice %arg3[%mul3A_611] : memref<1024xf32, #tpu.memory_space<hbm>> -> memref<32xf32, #tpu.memory_space<hbm>>
      %dma_start3A_612 = tpu.memref_slice %arg3[%mul3A_611] : memref<1024xf32, #tpu.memory_space<hbm>> -> memref<32xf32, #tpu.memory_space<hbm>>
      tpu.enqueue_dma source(%arg5 : memref<32xf32, #tpu.memory_space<vmem>>) target(%dma_start3A_612 : memref<32xf32, #tpu.memory_space<hbm>>) target_semaphore(%run_scoped3A : memref<!tpu.dma_semaphore, #tpu.memory_space<semaphore_mem>>)
      %dma_wait3A = tpu.memref_slice %arg3[%mul3A_611] : memref<1024xf32, #tpu.memory_space<hbm>> -> memref<32xf32, #tpu.memory_space<hbm>>
      %dma_wait3A_613 = tpu.memref_slice %arg3[%mul3A_611] : memref<1024xf32, #tpu.memory_space<hbm>> -> memref<32xf32, #tpu.memory_space<hbm>>
      tpu.wait_dma2 semaphore(%run_scoped3A : memref<!tpu.dma_semaphore, #tpu.memory_space<semaphore_mem>>) src(%arg5 : memref<32xf32, #tpu.memory_space<vmem>>) dst(%dma_wait3A_613 : memref<32xf32, #tpu.memory_space<hbm>>)
      tpu.yield
    }) : () -> ()
    return
  }
}

module attributes {stable_mosaic.version = 14 : i64} {
  func.func @_sentw_kernel(%arg0: i32, %arg1: memref<256x4096xf32, #tpu.memory_space<vmem>>, %arg2: memref<4096x1024xbf16, #tpu.memory_space<vmem>>, %arg3: memref<256x1x1024xf32, #tpu.memory_space<vmem>>) attributes {dimension_semantics = [#tpu.dimension_semantics<parallel>], iteration_bounds = array<i64: 4>, scalar_prefetch = 0 : i64, scratch_operands = 0 : i64, tpu.core_type = #tpu.core_type<tc>, window_params = [{transform_indices = @transform_0, window_bounds = array<i64: 256, 4096>}, {pipeline_mode = #tpu.pipeline_mode<synchronous>, transform_indices = @transform_1, window_bounds = array<i64: 4096, 1024>}, {transform_indices = @transform_2, window_bounds = array<i64: 256, 1, 1024>}]} {
    %get3A = arith.constant 0 : index
    %get3A_0 = arith.constant 0 : index
    %get3A_1 = vector.load %arg1[%get3A, %get3A_0] : memref<256x4096xf32, #tpu.memory_space<vmem>>, vector<256x4096xf32>
    %convert_element_type3A = arith.truncf %get3A_1 : vector<256x4096xf32> to vector<256x4096xbf16>
    %get3A_2 = arith.constant 0 : index
    %get3A_3 = arith.constant 0 : index
    %get3A_4 = vector.load %arg2[%get3A_2, %get3A_3] : memref<4096x1024xbf16, #tpu.memory_space<vmem>>, vector<4096x1024xbf16>
    %dot_general3A = arith.constant dense<0.000000e+00> : vector<256x1024xf32>
    %dot_general3A_5 = tpu.matmul %convert_element_type3A, %get3A_4, %dot_general3A {dimension_numbers = #tpu.dot_dimension_numbers<[1], [0], [0], [1], [0, 0, 1, 1], [], []>, transpose_lhs_hint = false} : vector<256x4096xbf16>, vector<4096x1024xbf16>, vector<256x1024xf32> -> vector<256x1024xf32>
    %broadcast_in_dim3A = vector.shape_cast %dot_general3A_5 : vector<256x1024xf32> to vector<256x1x1024xf32>
    %swap3A = arith.constant 0 : index
    %swap3A_6 = arith.constant 0 : index
    %swap3A_7 = arith.constant 0 : index
    %swap3A_8 = vector.load %arg3[%swap3A, %swap3A_6, %swap3A_7] : memref<256x1x1024xf32, #tpu.memory_space<vmem>>, vector<256x1x1024xf32>
    tpu.vector_store %arg3[%swap3A, %swap3A_6, %swap3A_7], %broadcast_in_dim3A {strides = array<i32>} : memref<256x1x1024xf32, #tpu.memory_space<vmem>>, vector<256x1x1024xf32>,
    return
  }
  func.func @transform_0(%arg0: i32) -> (i32, i32) {
    %c0_i32 = arith.constant 0 : i32
    %c0_i32_0 = arith.constant 0 : i32
    return %arg0, %c0_i32 : i32, i32
  }
  func.func @transform_1(%arg0: i32) -> (i32, i32) {
    %c0_i32 = arith.constant 0 : i32
    %c0_i32_0 = arith.constant 0 : i32
    %c0_i32_1 = arith.constant 0 : i32
    return %c0_i32, %c0_i32_0 : i32, i32
  }
  func.func @transform_2(%arg0: i32) -> (i32, i32, i32) {
    %c0_i32 = arith.constant 0 : i32
    %c0_i32_0 = arith.constant 0 : i32
    %c0_i32_1 = arith.constant 0 : i32
    return %arg0, %c0_i32, %c0_i32_0 : i32, i32, i32
  }
}

module attributes {stable_mosaic.version = 14 : i64} {
  func.func @_const_kernel(%arg0: memref<64x4096xbf16, #tpu.memory_space<vmem>>, %arg1: memref<4096x1024xbf16, #tpu.memory_space<vmem>>, %arg2: memref<1x1024xf32, #tpu.memory_space<vmem>>, %arg3: memref<64x1024xf32, #tpu.memory_space<vmem>>) attributes {dimension_semantics = [], scalar_prefetch = 0 : i64, scratch_operands = 0 : i64, tpu.core_type = #tpu.core_type<tc>} {
    %get3A = arith.constant 0 : index
    %get3A_0 = arith.constant 0 : index
    %get3A_1 = vector.load %arg0[%get3A, %get3A_0] : memref<64x4096xbf16, #tpu.memory_space<vmem>>, vector<64x4096xbf16>
    %get3A_2 = arith.constant 0 : index
    %get3A_3 = arith.constant 0 : index
    %get3A_4 = vector.load %arg1[%get3A_2, %get3A_3] : memref<4096x1024xbf16, #tpu.memory_space<vmem>>, vector<4096x1024xbf16>
    %dot_general3A = arith.constant dense<0.000000e+00> : vector<64x1024xf32>
    %dot_general3A_5 = tpu.matmul %get3A_1, %get3A_4, %dot_general3A {dimension_numbers = #tpu.dot_dimension_numbers<[1], [0], [0], [1], [0, 0, 1, 1], [], []>, transpose_lhs_hint = false} : vector<64x4096xbf16>, vector<4096x1024xbf16>, vector<64x1024xf32> -> vector<64x1024xf32>
    %get3A_6 = arith.constant 0 : index
    %get3A_7 = arith.constant 0 : index
    %get3A_8 = vector.load %arg2[%get3A_6, %get3A_7] : memref<1x1024xf32, #tpu.memory_space<vmem>>, vector<1x1024xf32>
    %add3A = vector.broadcast %get3A_8 : vector<1x1024xf32> to vector<64x1024xf32>
    %add3A_9 = arith.addf %dot_general3A_5, %add3A : vector<64x1024xf32>
    %swap3A = arith.constant 0 : index
    %swap3A_10 = arith.constant 0 : index
    %swap3A_11 = vector.load %arg3[%swap3A, %swap3A_10] : memref<64x1024xf32, #tpu.memory_space<vmem>>, vector<64x1024xf32>
    tpu.vector_store %arg3[%swap3A, %swap3A_10], %add3A_9 {strides = array<i32>} : memref<64x1024xf32, #tpu.memory_space<vmem>>, vector<64x1024xf32>,
    return
  }
}

module attributes {stable_mosaic.version = 14 : i64} {
  func.func @_main_kernel(%arg0: i32, %arg1: memref<16x1xf32, #tpu.memory_space<vmem>>, %arg2: memref<800x4096xbf16, #tpu.memory_space<vmem>>, %arg3: memref<16x1x1024xf32, #tpu.memory_space<vmem>>, %arg4: memref<4096x1024xbf16, #tpu.memory_space<vmem>>, %arg5: memref<64x1024xf32, #tpu.memory_space<vmem>>, %arg6: memref<16x64x1024xf32, #tpu.memory_space<vmem>>) attributes {dimension_semantics = [#tpu.dimension_semantics<parallel>], iteration_bounds = array<i64: 64>, scalar_prefetch = 0 : i64, scratch_operands = 0 : i64, tpu.core_type = #tpu.core_type<tc>, window_params = [{transform_indices = @transform_0, window_bounds = array<i64: 16, 1>}, {transform_indices = @transform_1, window_bounds = array<i64: 800, 4096>}, {transform_indices = @transform_2, window_bounds = array<i64: 16, 1, 1024>}, {pipeline_mode = #tpu.pipeline_mode<synchronous>, transform_indices = @transform_3, window_bounds = array<i64: 4096, 1024>}, {pipeline_mode = #tpu.pipeline_mode<synchronous>, transform_indices = @transform_4, window_bounds = array<i64: 64, 1024>}, {transform_indices = @transform_5, window_bounds = array<i64: 16, 64, 1024>}]} {
    %get3A = arith.constant 0 : index
    %get3A_0 = arith.constant 0 : index
    %get3A_1 = vector.load %arg1[%get3A, %get3A_0] : memref<16x1xf32, #tpu.memory_space<vmem>>, vector<16x1xf32>
    %convert_element_type3A = arith.fptosi %get3A_1 : vector<16x1xf32> to vector<16x1xi32>
    %get3A_2 = arith.constant 0 : index
    %get3A_3 = arith.constant 0 : index
    %get3A_4 = vector.load %arg2[%get3A_2, %get3A_3] : memref<800x4096xbf16, #tpu.memory_space<vmem>>, vector<800x4096xbf16>
    %get3A_5 = arith.constant 0 : index
    %get3A_6 = arith.constant 0 : index
    %get3A_7 = vector.load %arg4[%get3A_5, %get3A_6] : memref<4096x1024xbf16, #tpu.memory_space<vmem>>, vector<4096x1024xbf16>
    %dot_general3A = arith.constant dense<0.000000e+00> : vector<800x1024xf32>
    %dot_general3A_8 = tpu.matmul %get3A_4, %get3A_7, %dot_general3A {dimension_numbers = #tpu.dot_dimension_numbers<[1], [0], [0], [1], [0, 0, 1, 1], [], []>, transpose_lhs_hint = false} : vector<800x4096xbf16>, vector<4096x1024xbf16>, vector<800x1024xf32> -> vector<800x1024xf32>
    %iota3A = tpu.iota {dimensions = array<i32: 0>} : vector<50x1xi32>
    %get3A_9 = arith.constant 0 : index
    %get3A_10 = arith.constant 0 : index
    %get3A_11 = vector.load %arg5[%get3A_9, %get3A_10] : memref<64x1024xf32, #tpu.memory_space<vmem>>, vector<64x1024xf32>
    %broadcast_in_dim3A = arith.constant 0.000000e+00 : f32
    %broadcast_in_dim3A_12 = vector.broadcast %broadcast_in_dim3A : f32 to vector<13x1024xf32>
    %get3A_13 = arith.constant 0 : index
    %get3A_14 = arith.constant 0 : index
    %get3A_15 = arith.constant 0 : index
    %get3A_16 = vector.load %arg3[%get3A_13, %get3A_14, %get3A_15] : memref<16x1x1024xf32, #tpu.memory_space<vmem>>, vector<1x1x1024xf32>
    %get3A_17 = vector.shape_cast %get3A_16 : vector<1x1x1024xf32> to vector<1x1024xf32>
    %slice3A = vector.extract_strided_slice %convert_element_type3A {offsets = [0, 0], sizes = [1, 1], strides = [1, 1]} : vector<16x1xi32> to vector<1x1xi32>
    %ge3A = vector.broadcast %slice3A : vector<1x1xi32> to vector<50x1xi32>
    %ge3A_18 = arith.cmpi sge, %iota3A, %ge3A : vector<50x1xi32>
    %slice3A_19 = vector.extract_strided_slice %dot_general3A_8 {offsets = [0, 0], sizes = [50, 1024], strides = [1, 1]} : vector<800x1024xf32> to vector<50x1024xf32>
    %broadcast_in_dim3A_20 = vector.shape_cast %ge3A_18 : vector<50x1xi1> to vector<50x1xi1>
    %broadcast_in_dim3A_21 = vector.broadcast %broadcast_in_dim3A_20 : vector<50x1xi1> to vector<50x1024xi1>
    %broadcast_in_dim3A_22 = vector.shape_cast %get3A_17 : vector<1x1024xf32> to vector<1x1024xf32>
    %broadcast_in_dim3A_23 = vector.broadcast %broadcast_in_dim3A_22 : vector<1x1024xf32> to vector<50x1024xf32>
    %select_n3A = arith.select %broadcast_in_dim3A_21, %broadcast_in_dim3A_23, %slice3A_19 : vector<50x1024xi1>, vector<50x1024xf32>
    %concatenate3A = tpu.concatenate %get3A_17, %select_n3A, %broadcast_in_dim3A_12 in 0 : vector<1x1024xf32>, vector<50x1024xf32>, vector<13x1024xf32> -> vector<64x1024xf32>
    %add3A = arith.addf %concatenate3A, %get3A_11 : vector<64x1024xf32>
    %swap3A = arith.constant 0 : index
    %swap3A_24 = arith.constant 0 : index
    %swap3A_25 = arith.constant 0 : index
    %swap3A_26 = vector.load %arg6[%swap3A, %swap3A_24, %swap3A_25] : memref<16x64x1024xf32, #tpu.memory_space<vmem>>, vector<1x64x1024xf32>
    %swap3A_27 = vector.shape_cast %swap3A_26 : vector<1x64x1024xf32> to vector<64x1024xf32>
    %swap3A_28 = vector.shape_cast %add3A : vector<64x1024xf32> to vector<1x64x1024xf32>
    tpu.vector_store %arg6[%swap3A, %swap3A_24, %swap3A_25], %swap3A_28 {strides = array<i32>} : memref<16x64x1024xf32, #tpu.memory_space<vmem>>, vector<1x64x1024xf32>,
    %get3A_29 = arith.constant 1 : index
    %get3A_30 = arith.constant 0 : index
    %get3A_31 = arith.constant 0 : index
    %get3A_32 = vector.load %arg3[%get3A_29, %get3A_30, %get3A_31] : memref<16x1x1024xf32, #tpu.memory_space<vmem>>, vector<1x1x1024xf32>
    %get3A_33 = vector.shape_cast %get3A_32 : vector<1x1x1024xf32> to vector<1x1024xf32>
    %slice3A_34 = vector.extract_strided_slice %convert_element_type3A {offsets = [1, 0], sizes = [1, 1], strides = [1, 1]} : vector<16x1xi32> to vector<1x1xi32>
    %ge3A_35 = vector.broadcast %slice3A_34 : vector<1x1xi32> to vector<50x1xi32>
    %ge3A_36 = arith.cmpi sge, %iota3A, %ge3A_35 : vector<50x1xi32>
    %slice3A_37 = vector.extract_strided_slice %dot_general3A_8 {offsets = [50, 0], sizes = [50, 1024], strides = [1, 1]} : vector<800x1024xf32> to vector<50x1024xf32>
    %broadcast_in_dim3A_38 = vector.shape_cast %ge3A_36 : vector<50x1xi1> to vector<50x1xi1>
    %broadcast_in_dim3A_39 = vector.broadcast %broadcast_in_dim3A_38 : vector<50x1xi1> to vector<50x1024xi1>
    %broadcast_in_dim3A_40 = vector.shape_cast %get3A_33 : vector<1x1024xf32> to vector<1x1024xf32>
    %broadcast_in_dim3A_41 = vector.broadcast %broadcast_in_dim3A_40 : vector<1x1024xf32> to vector<50x1024xf32>
    %select_n3A_42 = arith.select %broadcast_in_dim3A_39, %broadcast_in_dim3A_41, %slice3A_37 : vector<50x1024xi1>, vector<50x1024xf32>
    %concatenate3A_43 = tpu.concatenate %get3A_33, %select_n3A_42, %broadcast_in_dim3A_12 in 0 : vector<1x1024xf32>, vector<50x1024xf32>, vector<13x1024xf32> -> vector<64x1024xf32>
    %add3A_44 = arith.addf %concatenate3A_43, %get3A_11 : vector<64x1024xf32>
    %swap3A_45 = arith.constant 1 : index
    %swap3A_46 = arith.constant 0 : index
    %swap3A_47 = arith.constant 0 : index
    %swap3A_48 = vector.load %arg6[%swap3A_45, %swap3A_46, %swap3A_47] : memref<16x64x1024xf32, #tpu.memory_space<vmem>>, vector<1x64x1024xf32>
    %swap3A_49 = vector.shape_cast %swap3A_48 : vector<1x64x1024xf32> to vector<64x1024xf32>
    %swap3A_50 = vector.shape_cast %add3A_44 : vector<64x1024xf32> to vector<1x64x1024xf32>
    tpu.vector_store %arg6[%swap3A_45, %swap3A_46, %swap3A_47], %swap3A_50 {strides = array<i32>} : memref<16x64x1024xf32, #tpu.memory_space<vmem>>, vector<1x64x1024xf32>,
    %get3A_51 = arith.constant 2 : index
    %get3A_52 = arith.constant 0 : index
    %get3A_53 = arith.constant 0 : index
    %get3A_54 = vector.load %arg3[%get3A_51, %get3A_52, %get3A_53] : memref<16x1x1024xf32, #tpu.memory_space<vmem>>, vector<1x1x1024xf32>
    %get3A_55 = vector.shape_cast %get3A_54 : vector<1x1x1024xf32> to vector<1x1024xf32>
    %slice3A_56 = vector.extract_strided_slice %convert_element_type3A {offsets = [2, 0], sizes = [1, 1], strides = [1, 1]} : vector<16x1xi32> to vector<1x1xi32>
    %ge3A_57 = vector.broadcast %slice3A_56 : vector<1x1xi32> to vector<50x1xi32>
    %ge3A_58 = arith.cmpi sge, %iota3A, %ge3A_57 : vector<50x1xi32>
    %slice3A_59 = vector.extract_strided_slice %dot_general3A_8 {offsets = [100, 0], sizes = [50, 1024], strides = [1, 1]} : vector<800x1024xf32> to vector<50x1024xf32>
    %broadcast_in_dim3A_60 = vector.shape_cast %ge3A_58 : vector<50x1xi1> to vector<50x1xi1>
    %broadcast_in_dim3A_61 = vector.broadcast %broadcast_in_dim3A_60 : vector<50x1xi1> to vector<50x1024xi1>
    %broadcast_in_dim3A_62 = vector.shape_cast %get3A_55 : vector<1x1024xf32> to vector<1x1024xf32>
    %broadcast_in_dim3A_63 = vector.broadcast %broadcast_in_dim3A_62 : vector<1x1024xf32> to vector<50x1024xf32>
    %select_n3A_64 = arith.select %broadcast_in_dim3A_61, %broadcast_in_dim3A_63, %slice3A_59 : vector<50x1024xi1>, vector<50x1024xf32>
    %concatenate3A_65 = tpu.concatenate %get3A_55, %select_n3A_64, %broadcast_in_dim3A_12 in 0 : vector<1x1024xf32>, vector<50x1024xf32>, vector<13x1024xf32> -> vector<64x1024xf32>
    %add3A_66 = arith.addf %concatenate3A_65, %get3A_11 : vector<64x1024xf32>
    %swap3A_67 = arith.constant 2 : index
    %swap3A_68 = arith.constant 0 : index
    %swap3A_69 = arith.constant 0 : index
    %swap3A_70 = vector.load %arg6[%swap3A_67, %swap3A_68, %swap3A_69] : memref<16x64x1024xf32, #tpu.memory_space<vmem>>, vector<1x64x1024xf32>
    %swap3A_71 = vector.shape_cast %swap3A_70 : vector<1x64x1024xf32> to vector<64x1024xf32>
    %swap3A_72 = vector.shape_cast %add3A_66 : vector<64x1024xf32> to vector<1x64x1024xf32>
    tpu.vector_store %arg6[%swap3A_67, %swap3A_68, %swap3A_69], %swap3A_72 {strides = array<i32>} : memref<16x64x1024xf32, #tpu.memory_space<vmem>>, vector<1x64x1024xf32>,
    %get3A_73 = arith.constant 3 : index
    %get3A_74 = arith.constant 0 : index
    %get3A_75 = arith.constant 0 : index
    %get3A_76 = vector.load %arg3[%get3A_73, %get3A_74, %get3A_75] : memref<16x1x1024xf32, #tpu.memory_space<vmem>>, vector<1x1x1024xf32>
    %get3A_77 = vector.shape_cast %get3A_76 : vector<1x1x1024xf32> to vector<1x1024xf32>
    %slice3A_78 = vector.extract_strided_slice %convert_element_type3A {offsets = [3, 0], sizes = [1, 1], strides = [1, 1]} : vector<16x1xi32> to vector<1x1xi32>
    %ge3A_79 = vector.broadcast %slice3A_78 : vector<1x1xi32> to vector<50x1xi32>
    %ge3A_80 = arith.cmpi sge, %iota3A, %ge3A_79 : vector<50x1xi32>
    %slice3A_81 = vector.extract_strided_slice %dot_general3A_8 {offsets = [150, 0], sizes = [50, 1024], strides = [1, 1]} : vector<800x1024xf32> to vector<50x1024xf32>
    %broadcast_in_dim3A_82 = vector.shape_cast %ge3A_80 : vector<50x1xi1> to vector<50x1xi1>
    %broadcast_in_dim3A_83 = vector.broadcast %broadcast_in_dim3A_82 : vector<50x1xi1> to vector<50x1024xi1>
    %broadcast_in_dim3A_84 = vector.shape_cast %get3A_77 : vector<1x1024xf32> to vector<1x1024xf32>
    %broadcast_in_dim3A_85 = vector.broadcast %broadcast_in_dim3A_84 : vector<1x1024xf32> to vector<50x1024xf32>
    %select_n3A_86 = arith.select %broadcast_in_dim3A_83, %broadcast_in_dim3A_85, %slice3A_81 : vector<50x1024xi1>, vector<50x1024xf32>
    %concatenate3A_87 = tpu.concatenate %get3A_77, %select_n3A_86, %broadcast_in_dim3A_12 in 0 : vector<1x1024xf32>, vector<50x1024xf32>, vector<13x1024xf32> -> vector<64x1024xf32>
    %add3A_88 = arith.addf %concatenate3A_87, %get3A_11 : vector<64x1024xf32>
    %swap3A_89 = arith.constant 3 : index
    %swap3A_90 = arith.constant 0 : index
    %swap3A_91 = arith.constant 0 : index
    %swap3A_92 = vector.load %arg6[%swap3A_89, %swap3A_90, %swap3A_91] : memref<16x64x1024xf32, #tpu.memory_space<vmem>>, vector<1x64x1024xf32>
    %swap3A_93 = vector.shape_cast %swap3A_92 : vector<1x64x1024xf32> to vector<64x1024xf32>
    %swap3A_94 = vector.shape_cast %add3A_88 : vector<64x1024xf32> to vector<1x64x1024xf32>
    tpu.vector_store %arg6[%swap3A_89, %swap3A_90, %swap3A_91], %swap3A_94 {strides = array<i32>} : memref<16x64x1024xf32, #tpu.memory_space<vmem>>, vector<1x64x1024xf32>,
    %get3A_95 = arith.constant 4 : index
    %get3A_96 = arith.constant 0 : index
    %get3A_97 = arith.constant 0 : index
    %get3A_98 = vector.load %arg3[%get3A_95, %get3A_96, %get3A_97] : memref<16x1x1024xf32, #tpu.memory_space<vmem>>, vector<1x1x1024xf32>
    %get3A_99 = vector.shape_cast %get3A_98 : vector<1x1x1024xf32> to vector<1x1024xf32>
    %slice3A_100 = vector.extract_strided_slice %convert_element_type3A {offsets = [4, 0], sizes = [1, 1], strides = [1, 1]} : vector<16x1xi32> to vector<1x1xi32>
    %ge3A_101 = vector.broadcast %slice3A_100 : vector<1x1xi32> to vector<50x1xi32>
    %ge3A_102 = arith.cmpi sge, %iota3A, %ge3A_101 : vector<50x1xi32>
    %slice3A_103 = vector.extract_strided_slice %dot_general3A_8 {offsets = [200, 0], sizes = [50, 1024], strides = [1, 1]} : vector<800x1024xf32> to vector<50x1024xf32>
    %broadcast_in_dim3A_104 = vector.shape_cast %ge3A_102 : vector<50x1xi1> to vector<50x1xi1>
    %broadcast_in_dim3A_105 = vector.broadcast %broadcast_in_dim3A_104 : vector<50x1xi1> to vector<50x1024xi1>
    %broadcast_in_dim3A_106 = vector.shape_cast %get3A_99 : vector<1x1024xf32> to vector<1x1024xf32>
    %broadcast_in_dim3A_107 = vector.broadcast %broadcast_in_dim3A_106 : vector<1x1024xf32> to vector<50x1024xf32>
    %select_n3A_108 = arith.select %broadcast_in_dim3A_105, %broadcast_in_dim3A_107, %slice3A_103 : vector<50x1024xi1>, vector<50x1024xf32>
    %concatenate3A_109 = tpu.concatenate %get3A_99, %select_n3A_108, %broadcast_in_dim3A_12 in 0 : vector<1x1024xf32>, vector<50x1024xf32>, vector<13x1024xf32> -> vector<64x1024xf32>
    %add3A_110 = arith.addf %concatenate3A_109, %get3A_11 : vector<64x1024xf32>
    %swap3A_111 = arith.constant 4 : index
    %swap3A_112 = arith.constant 0 : index
    %swap3A_113 = arith.constant 0 : index
    %swap3A_114 = vector.load %arg6[%swap3A_111, %swap3A_112, %swap3A_113] : memref<16x64x1024xf32, #tpu.memory_space<vmem>>, vector<1x64x1024xf32>
    %swap3A_115 = vector.shape_cast %swap3A_114 : vector<1x64x1024xf32> to vector<64x1024xf32>
    %swap3A_116 = vector.shape_cast %add3A_110 : vector<64x1024xf32> to vector<1x64x1024xf32>
    tpu.vector_store %arg6[%swap3A_111, %swap3A_112, %swap3A_113], %swap3A_116 {strides = array<i32>} : memref<16x64x1024xf32, #tpu.memory_space<vmem>>, vector<1x64x1024xf32>,
    %get3A_117 = arith.constant 5 : index
    %get3A_118 = arith.constant 0 : index
    %get3A_119 = arith.constant 0 : index
    %get3A_120 = vector.load %arg3[%get3A_117, %get3A_118, %get3A_119] : memref<16x1x1024xf32, #tpu.memory_space<vmem>>, vector<1x1x1024xf32>
    %get3A_121 = vector.shape_cast %get3A_120 : vector<1x1x1024xf32> to vector<1x1024xf32>
    %slice3A_122 = vector.extract_strided_slice %convert_element_type3A {offsets = [5, 0], sizes = [1, 1], strides = [1, 1]} : vector<16x1xi32> to vector<1x1xi32>
    %ge3A_123 = vector.broadcast %slice3A_122 : vector<1x1xi32> to vector<50x1xi32>
    %ge3A_124 = arith.cmpi sge, %iota3A, %ge3A_123 : vector<50x1xi32>
    %slice3A_125 = vector.extract_strided_slice %dot_general3A_8 {offsets = [250, 0], sizes = [50, 1024], strides = [1, 1]} : vector<800x1024xf32> to vector<50x1024xf32>
    %broadcast_in_dim3A_126 = vector.shape_cast %ge3A_124 : vector<50x1xi1> to vector<50x1xi1>
    %broadcast_in_dim3A_127 = vector.broadcast %broadcast_in_dim3A_126 : vector<50x1xi1> to vector<50x1024xi1>
    %broadcast_in_dim3A_128 = vector.shape_cast %get3A_121 : vector<1x1024xf32> to vector<1x1024xf32>
    %broadcast_in_dim3A_129 = vector.broadcast %broadcast_in_dim3A_128 : vector<1x1024xf32> to vector<50x1024xf32>
    %select_n3A_130 = arith.select %broadcast_in_dim3A_127, %broadcast_in_dim3A_129, %slice3A_125 : vector<50x1024xi1>, vector<50x1024xf32>
    %concatenate3A_131 = tpu.concatenate %get3A_121, %select_n3A_130, %broadcast_in_dim3A_12 in 0 : vector<1x1024xf32>, vector<50x1024xf32>, vector<13x1024xf32> -> vector<64x1024xf32>
    %add3A_132 = arith.addf %concatenate3A_131, %get3A_11 : vector<64x1024xf32>
    %swap3A_133 = arith.constant 5 : index
    %swap3A_134 = arith.constant 0 : index
    %swap3A_135 = arith.constant 0 : index
    %swap3A_136 = vector.load %arg6[%swap3A_133, %swap3A_134, %swap3A_135] : memref<16x64x1024xf32, #tpu.memory_space<vmem>>, vector<1x64x1024xf32>
    %swap3A_137 = vector.shape_cast %swap3A_136 : vector<1x64x1024xf32> to vector<64x1024xf32>
    %swap3A_138 = vector.shape_cast %add3A_132 : vector<64x1024xf32> to vector<1x64x1024xf32>
    tpu.vector_store %arg6[%swap3A_133, %swap3A_134, %swap3A_135], %swap3A_138 {strides = array<i32>} : memref<16x64x1024xf32, #tpu.memory_space<vmem>>, vector<1x64x1024xf32>,
    %get3A_139 = arith.constant 6 : index
    %get3A_140 = arith.constant 0 : index
    %get3A_141 = arith.constant 0 : index
    %get3A_142 = vector.load %arg3[%get3A_139, %get3A_140, %get3A_141] : memref<16x1x1024xf32, #tpu.memory_space<vmem>>, vector<1x1x1024xf32>
    %get3A_143 = vector.shape_cast %get3A_142 : vector<1x1x1024xf32> to vector<1x1024xf32>
    %slice3A_144 = vector.extract_strided_slice %convert_element_type3A {offsets = [6, 0], sizes = [1, 1], strides = [1, 1]} : vector<16x1xi32> to vector<1x1xi32>
    %ge3A_145 = vector.broadcast %slice3A_144 : vector<1x1xi32> to vector<50x1xi32>
    %ge3A_146 = arith.cmpi sge, %iota3A, %ge3A_145 : vector<50x1xi32>
    %slice3A_147 = vector.extract_strided_slice %dot_general3A_8 {offsets = [300, 0], sizes = [50, 1024], strides = [1, 1]} : vector<800x1024xf32> to vector<50x1024xf32>
    %broadcast_in_dim3A_148 = vector.shape_cast %ge3A_146 : vector<50x1xi1> to vector<50x1xi1>
    %broadcast_in_dim3A_149 = vector.broadcast %broadcast_in_dim3A_148 : vector<50x1xi1> to vector<50x1024xi1>
    %broadcast_in_dim3A_150 = vector.shape_cast %get3A_143 : vector<1x1024xf32> to vector<1x1024xf32>
    %broadcast_in_dim3A_151 = vector.broadcast %broadcast_in_dim3A_150 : vector<1x1024xf32> to vector<50x1024xf32>
    %select_n3A_152 = arith.select %broadcast_in_dim3A_149, %broadcast_in_dim3A_151, %slice3A_147 : vector<50x1024xi1>, vector<50x1024xf32>
    %concatenate3A_153 = tpu.concatenate %get3A_143, %select_n3A_152, %broadcast_in_dim3A_12 in 0 : vector<1x1024xf32>, vector<50x1024xf32>, vector<13x1024xf32> -> vector<64x1024xf32>
    %add3A_154 = arith.addf %concatenate3A_153, %get3A_11 : vector<64x1024xf32>
    %swap3A_155 = arith.constant 6 : index
    %swap3A_156 = arith.constant 0 : index
    %swap3A_157 = arith.constant 0 : index
    %swap3A_158 = vector.load %arg6[%swap3A_155, %swap3A_156, %swap3A_157] : memref<16x64x1024xf32, #tpu.memory_space<vmem>>, vector<1x64x1024xf32>
    %swap3A_159 = vector.shape_cast %swap3A_158 : vector<1x64x1024xf32> to vector<64x1024xf32>
    %swap3A_160 = vector.shape_cast %add3A_154 : vector<64x1024xf32> to vector<1x64x1024xf32>
    tpu.vector_store %arg6[%swap3A_155, %swap3A_156, %swap3A_157], %swap3A_160 {strides = array<i32>} : memref<16x64x1024xf32, #tpu.memory_space<vmem>>, vector<1x64x1024xf32>,
    %get3A_161 = arith.constant 7 : index
    %get3A_162 = arith.constant 0 : index
    %get3A_163 = arith.constant 0 : index
    %get3A_164 = vector.load %arg3[%get3A_161, %get3A_162, %get3A_163] : memref<16x1x1024xf32, #tpu.memory_space<vmem>>, vector<1x1x1024xf32>
    %get3A_165 = vector.shape_cast %get3A_164 : vector<1x1x1024xf32> to vector<1x1024xf32>
    %slice3A_166 = vector.extract_strided_slice %convert_element_type3A {offsets = [7, 0], sizes = [1, 1], strides = [1, 1]} : vector<16x1xi32> to vector<1x1xi32>
    %ge3A_167 = vector.broadcast %slice3A_166 : vector<1x1xi32> to vector<50x1xi32>
    %ge3A_168 = arith.cmpi sge, %iota3A, %ge3A_167 : vector<50x1xi32>
    %slice3A_169 = vector.extract_strided_slice %dot_general3A_8 {offsets = [350, 0], sizes = [50, 1024], strides = [1, 1]} : vector<800x1024xf32> to vector<50x1024xf32>
    %broadcast_in_dim3A_170 = vector.shape_cast %ge3A_168 : vector<50x1xi1> to vector<50x1xi1>
    %broadcast_in_dim3A_171 = vector.broadcast %broadcast_in_dim3A_170 : vector<50x1xi1> to vector<50x1024xi1>
    %broadcast_in_dim3A_172 = vector.shape_cast %get3A_165 : vector<1x1024xf32> to vector<1x1024xf32>
    %broadcast_in_dim3A_173 = vector.broadcast %broadcast_in_dim3A_172 : vector<1x1024xf32> to vector<50x1024xf32>
    %select_n3A_174 = arith.select %broadcast_in_dim3A_171, %broadcast_in_dim3A_173, %slice3A_169 : vector<50x1024xi1>, vector<50x1024xf32>
    %concatenate3A_175 = tpu.concatenate %get3A_165, %select_n3A_174, %broadcast_in_dim3A_12 in 0 : vector<1x1024xf32>, vector<50x1024xf32>, vector<13x1024xf32> -> vector<64x1024xf32>
    %add3A_176 = arith.addf %concatenate3A_175, %get3A_11 : vector<64x1024xf32>
    %swap3A_177 = arith.constant 7 : index
    %swap3A_178 = arith.constant 0 : index
    %swap3A_179 = arith.constant 0 : index
    %swap3A_180 = vector.load %arg6[%swap3A_177, %swap3A_178, %swap3A_179] : memref<16x64x1024xf32, #tpu.memory_space<vmem>>, vector<1x64x1024xf32>
    %swap3A_181 = vector.shape_cast %swap3A_180 : vector<1x64x1024xf32> to vector<64x1024xf32>
    %swap3A_182 = vector.shape_cast %add3A_176 : vector<64x1024xf32> to vector<1x64x1024xf32>
    tpu.vector_store %arg6[%swap3A_177, %swap3A_178, %swap3A_179], %swap3A_182 {strides = array<i32>} : memref<16x64x1024xf32, #tpu.memory_space<vmem>>, vector<1x64x1024xf32>,
    %get3A_183 = arith.constant 8 : index
    %get3A_184 = arith.constant 0 : index
    %get3A_185 = arith.constant 0 : index
    %get3A_186 = vector.load %arg3[%get3A_183, %get3A_184, %get3A_185] : memref<16x1x1024xf32, #tpu.memory_space<vmem>>, vector<1x1x1024xf32>
    %get3A_187 = vector.shape_cast %get3A_186 : vector<1x1x1024xf32> to vector<1x1024xf32>
    %slice3A_188 = vector.extract_strided_slice %convert_element_type3A {offsets = [8, 0], sizes = [1, 1], strides = [1, 1]} : vector<16x1xi32> to vector<1x1xi32>
    %ge3A_189 = vector.broadcast %slice3A_188 : vector<1x1xi32> to vector<50x1xi32>
    %ge3A_190 = arith.cmpi sge, %iota3A, %ge3A_189 : vector<50x1xi32>
    %slice3A_191 = vector.extract_strided_slice %dot_general3A_8 {offsets = [400, 0], sizes = [50, 1024], strides = [1, 1]} : vector<800x1024xf32> to vector<50x1024xf32>
    %broadcast_in_dim3A_192 = vector.shape_cast %ge3A_190 : vector<50x1xi1> to vector<50x1xi1>
    %broadcast_in_dim3A_193 = vector.broadcast %broadcast_in_dim3A_192 : vector<50x1xi1> to vector<50x1024xi1>
    %broadcast_in_dim3A_194 = vector.shape_cast %get3A_187 : vector<1x1024xf32> to vector<1x1024xf32>
    %broadcast_in_dim3A_195 = vector.broadcast %broadcast_in_dim3A_194 : vector<1x1024xf32> to vector<50x1024xf32>
    %select_n3A_196 = arith.select %broadcast_in_dim3A_193, %broadcast_in_dim3A_195, %slice3A_191 : vector<50x1024xi1>, vector<50x1024xf32>
    %concatenate3A_197 = tpu.concatenate %get3A_187, %select_n3A_196, %broadcast_in_dim3A_12 in 0 : vector<1x1024xf32>, vector<50x1024xf32>, vector<13x1024xf32> -> vector<64x1024xf32>
    %add3A_198 = arith.addf %concatenate3A_197, %get3A_11 : vector<64x1024xf32>
    %swap3A_199 = arith.constant 8 : index
    %swap3A_200 = arith.constant 0 : index
    %swap3A_201 = arith.constant 0 : index
    %swap3A_202 = vector.load %arg6[%swap3A_199, %swap3A_200, %swap3A_201] : memref<16x64x1024xf32, #tpu.memory_space<vmem>>, vector<1x64x1024xf32>
    %swap3A_203 = vector.shape_cast %swap3A_202 : vector<1x64x1024xf32> to vector<64x1024xf32>
    %swap3A_204 = vector.shape_cast %add3A_198 : vector<64x1024xf32> to vector<1x64x1024xf32>
    tpu.vector_store %arg6[%swap3A_199, %swap3A_200, %swap3A_201], %swap3A_204 {strides = array<i32>} : memref<16x64x1024xf32, #tpu.memory_space<vmem>>, vector<1x64x1024xf32>,
    %get3A_205 = arith.constant 9 : index
    %get3A_206 = arith.constant 0 : index
    %get3A_207 = arith.constant 0 : index
    %get3A_208 = vector.load %arg3[%get3A_205, %get3A_206, %get3A_207] : memref<16x1x1024xf32, #tpu.memory_space<vmem>>, vector<1x1x1024xf32>
    %get3A_209 = vector.shape_cast %get3A_208 : vector<1x1x1024xf32> to vector<1x1024xf32>
    %slice3A_210 = vector.extract_strided_slice %convert_element_type3A {offsets = [9, 0], sizes = [1, 1], strides = [1, 1]} : vector<16x1xi32> to vector<1x1xi32>
    %ge3A_211 = vector.broadcast %slice3A_210 : vector<1x1xi32> to vector<50x1xi32>
    %ge3A_212 = arith.cmpi sge, %iota3A, %ge3A_211 : vector<50x1xi32>
    %slice3A_213 = vector.extract_strided_slice %dot_general3A_8 {offsets = [450, 0], sizes = [50, 1024], strides = [1, 1]} : vector<800x1024xf32> to vector<50x1024xf32>
    %broadcast_in_dim3A_214 = vector.shape_cast %ge3A_212 : vector<50x1xi1> to vector<50x1xi1>
    %broadcast_in_dim3A_215 = vector.broadcast %broadcast_in_dim3A_214 : vector<50x1xi1> to vector<50x1024xi1>
    %broadcast_in_dim3A_216 = vector.shape_cast %get3A_209 : vector<1x1024xf32> to vector<1x1024xf32>
    %broadcast_in_dim3A_217 = vector.broadcast %broadcast_in_dim3A_216 : vector<1x1024xf32> to vector<50x1024xf32>
    %select_n3A_218 = arith.select %broadcast_in_dim3A_215, %broadcast_in_dim3A_217, %slice3A_213 : vector<50x1024xi1>, vector<50x1024xf32>
    %concatenate3A_219 = tpu.concatenate %get3A_209, %select_n3A_218, %broadcast_in_dim3A_12 in 0 : vector<1x1024xf32>, vector<50x1024xf32>, vector<13x1024xf32> -> vector<64x1024xf32>
    %add3A_220 = arith.addf %concatenate3A_219, %get3A_11 : vector<64x1024xf32>
    %swap3A_221 = arith.constant 9 : index
    %swap3A_222 = arith.constant 0 : index
    %swap3A_223 = arith.constant 0 : index
    %swap3A_224 = vector.load %arg6[%swap3A_221, %swap3A_222, %swap3A_223] : memref<16x64x1024xf32, #tpu.memory_space<vmem>>, vector<1x64x1024xf32>
    %swap3A_225 = vector.shape_cast %swap3A_224 : vector<1x64x1024xf32> to vector<64x1024xf32>
    %swap3A_226 = vector.shape_cast %add3A_220 : vector<64x1024xf32> to vector<1x64x1024xf32>
    tpu.vector_store %arg6[%swap3A_221, %swap3A_222, %swap3A_223], %swap3A_226 {strides = array<i32>} : memref<16x64x1024xf32, #tpu.memory_space<vmem>>, vector<1x64x1024xf32>,
    %get3A_227 = arith.constant 10 : index
    %get3A_228 = arith.constant 0 : index
    %get3A_229 = arith.constant 0 : index
    %get3A_230 = vector.load %arg3[%get3A_227, %get3A_228, %get3A_229] : memref<16x1x1024xf32, #tpu.memory_space<vmem>>, vector<1x1x1024xf32>
    %get3A_231 = vector.shape_cast %get3A_230 : vector<1x1x1024xf32> to vector<1x1024xf32>
    %slice3A_232 = vector.extract_strided_slice %convert_element_type3A {offsets = [10, 0], sizes = [1, 1], strides = [1, 1]} : vector<16x1xi32> to vector<1x1xi32>
    %ge3A_233 = vector.broadcast %slice3A_232 : vector<1x1xi32> to vector<50x1xi32>
    %ge3A_234 = arith.cmpi sge, %iota3A, %ge3A_233 : vector<50x1xi32>
    %slice3A_235 = vector.extract_strided_slice %dot_general3A_8 {offsets = [500, 0], sizes = [50, 1024], strides = [1, 1]} : vector<800x1024xf32> to vector<50x1024xf32>
    %broadcast_in_dim3A_236 = vector.shape_cast %ge3A_234 : vector<50x1xi1> to vector<50x1xi1>
    %broadcast_in_dim3A_237 = vector.broadcast %broadcast_in_dim3A_236 : vector<50x1xi1> to vector<50x1024xi1>
    %broadcast_in_dim3A_238 = vector.shape_cast %get3A_231 : vector<1x1024xf32> to vector<1x1024xf32>
    %broadcast_in_dim3A_239 = vector.broadcast %broadcast_in_dim3A_238 : vector<1x1024xf32> to vector<50x1024xf32>
    %select_n3A_240 = arith.select %broadcast_in_dim3A_237, %broadcast_in_dim3A_239, %slice3A_235 : vector<50x1024xi1>, vector<50x1024xf32>
    %concatenate3A_241 = tpu.concatenate %get3A_231, %select_n3A_240, %broadcast_in_dim3A_12 in 0 : vector<1x1024xf32>, vector<50x1024xf32>, vector<13x1024xf32> -> vector<64x1024xf32>
    %add3A_242 = arith.addf %concatenate3A_241, %get3A_11 : vector<64x1024xf32>
    %swap3A_243 = arith.constant 10 : index
    %swap3A_244 = arith.constant 0 : index
    %swap3A_245 = arith.constant 0 : index
    %swap3A_246 = vector.load %arg6[%swap3A_243, %swap3A_244, %swap3A_245] : memref<16x64x1024xf32, #tpu.memory_space<vmem>>, vector<1x64x1024xf32>
    %swap3A_247 = vector.shape_cast %swap3A_246 : vector<1x64x1024xf32> to vector<64x1024xf32>
    %swap3A_248 = vector.shape_cast %add3A_242 : vector<64x1024xf32> to vector<1x64x1024xf32>
    tpu.vector_store %arg6[%swap3A_243, %swap3A_244, %swap3A_245], %swap3A_248 {strides = array<i32>} : memref<16x64x1024xf32, #tpu.memory_space<vmem>>, vector<1x64x1024xf32>,
    %get3A_249 = arith.constant 11 : index
    %get3A_250 = arith.constant 0 : index
    %get3A_251 = arith.constant 0 : index
    %get3A_252 = vector.load %arg3[%get3A_249, %get3A_250, %get3A_251] : memref<16x1x1024xf32, #tpu.memory_space<vmem>>, vector<1x1x1024xf32>
    %get3A_253 = vector.shape_cast %get3A_252 : vector<1x1x1024xf32> to vector<1x1024xf32>
    %slice3A_254 = vector.extract_strided_slice %convert_element_type3A {offsets = [11, 0], sizes = [1, 1], strides = [1, 1]} : vector<16x1xi32> to vector<1x1xi32>
    %ge3A_255 = vector.broadcast %slice3A_254 : vector<1x1xi32> to vector<50x1xi32>
    %ge3A_256 = arith.cmpi sge, %iota3A, %ge3A_255 : vector<50x1xi32>
    %slice3A_257 = vector.extract_strided_slice %dot_general3A_8 {offsets = [550, 0], sizes = [50, 1024], strides = [1, 1]} : vector<800x1024xf32> to vector<50x1024xf32>
    %broadcast_in_dim3A_258 = vector.shape_cast %ge3A_256 : vector<50x1xi1> to vector<50x1xi1>
    %broadcast_in_dim3A_259 = vector.broadcast %broadcast_in_dim3A_258 : vector<50x1xi1> to vector<50x1024xi1>
    %broadcast_in_dim3A_260 = vector.shape_cast %get3A_253 : vector<1x1024xf32> to vector<1x1024xf32>
    %broadcast_in_dim3A_261 = vector.broadcast %broadcast_in_dim3A_260 : vector<1x1024xf32> to vector<50x1024xf32>
    %select_n3A_262 = arith.select %broadcast_in_dim3A_259, %broadcast_in_dim3A_261, %slice3A_257 : vector<50x1024xi1>, vector<50x1024xf32>
    %concatenate3A_263 = tpu.concatenate %get3A_253, %select_n3A_262, %broadcast_in_dim3A_12 in 0 : vector<1x1024xf32>, vector<50x1024xf32>, vector<13x1024xf32> -> vector<64x1024xf32>
    %add3A_264 = arith.addf %concatenate3A_263, %get3A_11 : vector<64x1024xf32>
    %swap3A_265 = arith.constant 11 : index
    %swap3A_266 = arith.constant 0 : index
    %swap3A_267 = arith.constant 0 : index
    %swap3A_268 = vector.load %arg6[%swap3A_265, %swap3A_266, %swap3A_267] : memref<16x64x1024xf32, #tpu.memory_space<vmem>>, vector<1x64x1024xf32>
    %swap3A_269 = vector.shape_cast %swap3A_268 : vector<1x64x1024xf32> to vector<64x1024xf32>
    %swap3A_270 = vector.shape_cast %add3A_264 : vector<64x1024xf32> to vector<1x64x1024xf32>
    tpu.vector_store %arg6[%swap3A_265, %swap3A_266, %swap3A_267], %swap3A_270 {strides = array<i32>} : memref<16x64x1024xf32, #tpu.memory_space<vmem>>, vector<1x64x1024xf32>,
    %get3A_271 = arith.constant 12 : index
    %get3A_272 = arith.constant 0 : index
    %get3A_273 = arith.constant 0 : index
    %get3A_274 = vector.load %arg3[%get3A_271, %get3A_272, %get3A_273] : memref<16x1x1024xf32, #tpu.memory_space<vmem>>, vector<1x1x1024xf32>
    %get3A_275 = vector.shape_cast %get3A_274 : vector<1x1x1024xf32> to vector<1x1024xf32>
    %slice3A_276 = vector.extract_strided_slice %convert_element_type3A {offsets = [12, 0], sizes = [1, 1], strides = [1, 1]} : vector<16x1xi32> to vector<1x1xi32>
    %ge3A_277 = vector.broadcast %slice3A_276 : vector<1x1xi32> to vector<50x1xi32>
    %ge3A_278 = arith.cmpi sge, %iota3A, %ge3A_277 : vector<50x1xi32>
    %slice3A_279 = vector.extract_strided_slice %dot_general3A_8 {offsets = [600, 0], sizes = [50, 1024], strides = [1, 1]} : vector<800x1024xf32> to vector<50x1024xf32>
    %broadcast_in_dim3A_280 = vector.shape_cast %ge3A_278 : vector<50x1xi1> to vector<50x1xi1>
    %broadcast_in_dim3A_281 = vector.broadcast %broadcast_in_dim3A_280 : vector<50x1xi1> to vector<50x1024xi1>
    %broadcast_in_dim3A_282 = vector.shape_cast %get3A_275 : vector<1x1024xf32> to vector<1x1024xf32>
    %broadcast_in_dim3A_283 = vector.broadcast %broadcast_in_dim3A_282 : vector<1x1024xf32> to vector<50x1024xf32>
    %select_n3A_284 = arith.select %broadcast_in_dim3A_281, %broadcast_in_dim3A_283, %slice3A_279 : vector<50x1024xi1>, vector<50x1024xf32>
    %concatenate3A_285 = tpu.concatenate %get3A_275, %select_n3A_284, %broadcast_in_dim3A_12 in 0 : vector<1x1024xf32>, vector<50x1024xf32>, vector<13x1024xf32> -> vector<64x1024xf32>
    %add3A_286 = arith.addf %concatenate3A_285, %get3A_11 : vector<64x1024xf32>
    %swap3A_287 = arith.constant 12 : index
    %swap3A_288 = arith.constant 0 : index
    %swap3A_289 = arith.constant 0 : index
    %swap3A_290 = vector.load %arg6[%swap3A_287, %swap3A_288, %swap3A_289] : memref<16x64x1024xf32, #tpu.memory_space<vmem>>, vector<1x64x1024xf32>
    %swap3A_291 = vector.shape_cast %swap3A_290 : vector<1x64x1024xf32> to vector<64x1024xf32>
    %swap3A_292 = vector.shape_cast %add3A_286 : vector<64x1024xf32> to vector<1x64x1024xf32>
    tpu.vector_store %arg6[%swap3A_287, %swap3A_288, %swap3A_289], %swap3A_292 {strides = array<i32>} : memref<16x64x1024xf32, #tpu.memory_space<vmem>>, vector<1x64x1024xf32>,
    %get3A_293 = arith.constant 13 : index
    %get3A_294 = arith.constant 0 : index
    %get3A_295 = arith.constant 0 : index
    %get3A_296 = vector.load %arg3[%get3A_293, %get3A_294, %get3A_295] : memref<16x1x1024xf32, #tpu.memory_space<vmem>>, vector<1x1x1024xf32>
    %get3A_297 = vector.shape_cast %get3A_296 : vector<1x1x1024xf32> to vector<1x1024xf32>
    %slice3A_298 = vector.extract_strided_slice %convert_element_type3A {offsets = [13, 0], sizes = [1, 1], strides = [1, 1]} : vector<16x1xi32> to vector<1x1xi32>
    %ge3A_299 = vector.broadcast %slice3A_298 : vector<1x1xi32> to vector<50x1xi32>
    %ge3A_300 = arith.cmpi sge, %iota3A, %ge3A_299 : vector<50x1xi32>
    %slice3A_301 = vector.extract_strided_slice %dot_general3A_8 {offsets = [650, 0], sizes = [50, 1024], strides = [1, 1]} : vector<800x1024xf32> to vector<50x1024xf32>
    %broadcast_in_dim3A_302 = vector.shape_cast %ge3A_300 : vector<50x1xi1> to vector<50x1xi1>
    %broadcast_in_dim3A_303 = vector.broadcast %broadcast_in_dim3A_302 : vector<50x1xi1> to vector<50x1024xi1>
    %broadcast_in_dim3A_304 = vector.shape_cast %get3A_297 : vector<1x1024xf32> to vector<1x1024xf32>
    %broadcast_in_dim3A_305 = vector.broadcast %broadcast_in_dim3A_304 : vector<1x1024xf32> to vector<50x1024xf32>
    %select_n3A_306 = arith.select %broadcast_in_dim3A_303, %broadcast_in_dim3A_305, %slice3A_301 : vector<50x1024xi1>, vector<50x1024xf32>
    %concatenate3A_307 = tpu.concatenate %get3A_297, %select_n3A_306, %broadcast_in_dim3A_12 in 0 : vector<1x1024xf32>, vector<50x1024xf32>, vector<13x1024xf32> -> vector<64x1024xf32>
    %add3A_308 = arith.addf %concatenate3A_307, %get3A_11 : vector<64x1024xf32>
    %swap3A_309 = arith.constant 13 : index
    %swap3A_310 = arith.constant 0 : index
    %swap3A_311 = arith.constant 0 : index
    %swap3A_312 = vector.load %arg6[%swap3A_309, %swap3A_310, %swap3A_311] : memref<16x64x1024xf32, #tpu.memory_space<vmem>>, vector<1x64x1024xf32>
    %swap3A_313 = vector.shape_cast %swap3A_312 : vector<1x64x1024xf32> to vector<64x1024xf32>
    %swap3A_314 = vector.shape_cast %add3A_308 : vector<64x1024xf32> to vector<1x64x1024xf32>
    tpu.vector_store %arg6[%swap3A_309, %swap3A_310, %swap3A_311], %swap3A_314 {strides = array<i32>} : memref<16x64x1024xf32, #tpu.memory_space<vmem>>, vector<1x64x1024xf32>,
    %get3A_315 = arith.constant 14 : index
    %get3A_316 = arith.constant 0 : index
    %get3A_317 = arith.constant 0 : index
    %get3A_318 = vector.load %arg3[%get3A_315, %get3A_316, %get3A_317] : memref<16x1x1024xf32, #tpu.memory_space<vmem>>, vector<1x1x1024xf32>
    %get3A_319 = vector.shape_cast %get3A_318 : vector<1x1x1024xf32> to vector<1x1024xf32>
    %slice3A_320 = vector.extract_strided_slice %convert_element_type3A {offsets = [14, 0], sizes = [1, 1], strides = [1, 1]} : vector<16x1xi32> to vector<1x1xi32>
    %ge3A_321 = vector.broadcast %slice3A_320 : vector<1x1xi32> to vector<50x1xi32>
    %ge3A_322 = arith.cmpi sge, %iota3A, %ge3A_321 : vector<50x1xi32>
    %slice3A_323 = vector.extract_strided_slice %dot_general3A_8 {offsets = [700, 0], sizes = [50, 1024], strides = [1, 1]} : vector<800x1024xf32> to vector<50x1024xf32>
    %broadcast_in_dim3A_324 = vector.shape_cast %ge3A_322 : vector<50x1xi1> to vector<50x1xi1>
    %broadcast_in_dim3A_325 = vector.broadcast %broadcast_in_dim3A_324 : vector<50x1xi1> to vector<50x1024xi1>
    %broadcast_in_dim3A_326 = vector.shape_cast %get3A_319 : vector<1x1024xf32> to vector<1x1024xf32>
    %broadcast_in_dim3A_327 = vector.broadcast %broadcast_in_dim3A_326 : vector<1x1024xf32> to vector<50x1024xf32>
    %select_n3A_328 = arith.select %broadcast_in_dim3A_325, %broadcast_in_dim3A_327, %slice3A_323 : vector<50x1024xi1>, vector<50x1024xf32>
    %concatenate3A_329 = tpu.concatenate %get3A_319, %select_n3A_328, %broadcast_in_dim3A_12 in 0 : vector<1x1024xf32>, vector<50x1024xf32>, vector<13x1024xf32> -> vector<64x1024xf32>
    %add3A_330 = arith.addf %concatenate3A_329, %get3A_11 : vector<64x1024xf32>
    %swap3A_331 = arith.constant 14 : index
    %swap3A_332 = arith.constant 0 : index
    %swap3A_333 = arith.constant 0 : index
    %swap3A_334 = vector.load %arg6[%swap3A_331, %swap3A_332, %swap3A_333] : memref<16x64x1024xf32, #tpu.memory_space<vmem>>, vector<1x64x1024xf32>
    %swap3A_335 = vector.shape_cast %swap3A_334 : vector<1x64x1024xf32> to vector<64x1024xf32>
    %swap3A_336 = vector.shape_cast %add3A_330 : vector<64x1024xf32> to vector<1x64x1024xf32>
    tpu.vector_store %arg6[%swap3A_331, %swap3A_332, %swap3A_333], %swap3A_336 {strides = array<i32>} : memref<16x64x1024xf32, #tpu.memory_space<vmem>>, vector<1x64x1024xf32>,
    %get3A_337 = arith.constant 15 : index
    %get3A_338 = arith.constant 0 : index
    %get3A_339 = arith.constant 0 : index
    %get3A_340 = vector.load %arg3[%get3A_337, %get3A_338, %get3A_339] : memref<16x1x1024xf32, #tpu.memory_space<vmem>>, vector<1x1x1024xf32>
    %get3A_341 = vector.shape_cast %get3A_340 : vector<1x1x1024xf32> to vector<1x1024xf32>
    %slice3A_342 = vector.extract_strided_slice %convert_element_type3A {offsets = [15, 0], sizes = [1, 1], strides = [1, 1]} : vector<16x1xi32> to vector<1x1xi32>
    %ge3A_343 = vector.broadcast %slice3A_342 : vector<1x1xi32> to vector<50x1xi32>
    %ge3A_344 = arith.cmpi sge, %iota3A, %ge3A_343 : vector<50x1xi32>
    %slice3A_345 = vector.extract_strided_slice %dot_general3A_8 {offsets = [750, 0], sizes = [50, 1024], strides = [1, 1]} : vector<800x1024xf32> to vector<50x1024xf32>
    %broadcast_in_dim3A_346 = vector.shape_cast %ge3A_344 : vector<50x1xi1> to vector<50x1xi1>
    %broadcast_in_dim3A_347 = vector.broadcast %broadcast_in_dim3A_346 : vector<50x1xi1> to vector<50x1024xi1>
    %broadcast_in_dim3A_348 = vector.shape_cast %get3A_341 : vector<1x1024xf32> to vector<1x1024xf32>
    %broadcast_in_dim3A_349 = vector.broadcast %broadcast_in_dim3A_348 : vector<1x1024xf32> to vector<50x1024xf32>
    %select_n3A_350 = arith.select %broadcast_in_dim3A_347, %broadcast_in_dim3A_349, %slice3A_345 : vector<50x1024xi1>, vector<50x1024xf32>
    %concatenate3A_351 = tpu.concatenate %get3A_341, %select_n3A_350, %broadcast_in_dim3A_12 in 0 : vector<1x1024xf32>, vector<50x1024xf32>, vector<13x1024xf32> -> vector<64x1024xf32>
    %add3A_352 = arith.addf %concatenate3A_351, %get3A_11 : vector<64x1024xf32>
    %swap3A_353 = arith.constant 15 : index
    %swap3A_354 = arith.constant 0 : index
    %swap3A_355 = arith.constant 0 : index
    %swap3A_356 = vector.load %arg6[%swap3A_353, %swap3A_354, %swap3A_355] : memref<16x64x1024xf32, #tpu.memory_space<vmem>>, vector<1x64x1024xf32>
    %swap3A_357 = vector.shape_cast %swap3A_356 : vector<1x64x1024xf32> to vector<64x1024xf32>
    %swap3A_358 = vector.shape_cast %add3A_352 : vector<64x1024xf32> to vector<1x64x1024xf32>
    tpu.vector_store %arg6[%swap3A_353, %swap3A_354, %swap3A_355], %swap3A_358 {strides = array<i32>} : memref<16x64x1024xf32, #tpu.memory_space<vmem>>, vector<1x64x1024xf32>,
    return
  }
  func.func @transform_0(%arg0: i32) -> (i32, i32) {
    %c0_i32 = arith.constant 0 : i32
    %c0_i32_0 = arith.constant 0 : i32
    return %arg0, %c0_i32 : i32, i32
  }
  func.func @transform_1(%arg0: i32) -> (i32, i32) {
    %c0_i32 = arith.constant 0 : i32
    %c0_i32_0 = arith.constant 0 : i32
    return %arg0, %c0_i32 : i32, i32
  }
  func.func @transform_2(%arg0: i32) -> (i32, i32, i32) {
    %c0_i32 = arith.constant 0 : i32
    %c0_i32_0 = arith.constant 0 : i32
    %c0_i32_1 = arith.constant 0 : i32
    return %arg0, %c0_i32, %c0_i32_0 : i32, i32, i32
  }
  func.func @transform_3(%arg0: i32) -> (i32, i32) {
    %c0_i32 = arith.constant 0 : i32
    %c0_i32_0 = arith.constant 0 : i32
    %c0_i32_1 = arith.constant 0 : i32
    return %c0_i32, %c0_i32_0 : i32, i32
  }
  func.func @transform_4(%arg0: i32) -> (i32, i32) {
    %c0_i32 = arith.constant 0 : i32
    %c0_i32_0 = arith.constant 0 : i32
    %c0_i32_1 = arith.constant 0 : i32
    return %c0_i32, %c0_i32_0 : i32, i32
  }
  func.func @transform_5(%arg0: i32) -> (i32, i32, i32) {
    %c0_i32 = arith.constant 0 : i32
    %c0_i32_0 = arith.constant 0 : i32
    %c0_i32_1 = arith.constant 0 : i32
    return %arg0, %c0_i32, %c0_i32_0 : i32, i32, i32
  }
}

</mosaic_0001>

<sc_bundles>
// kernel: kernel.6.cloned.1.call-start
scs
__scs_entry_jumppad:
0x0: {  	(pc) =	sbr.rel $0x88, $3  }
0x1: {  	(tag) =	ssettag $0x0;
	lr =	simm.s32 $0x1  }
0x2: {  	[smem:$0x3F9B] =	sst lr;
	_ =	strace $0xD0000000  }
0x3: {  	_ = 	snop  }
0x4: {  	_ = 	snop  }
0x5: {  	_ = 	snop  }
0x6: {  	_ = 	snop  }
0x7: {  	_ = 	snop  }
__scs_overlays_trampoline_lowered:
0x8: {  	[smem:$0x3FAA] =	sst s0  }
0x9: {  	[smem:$0x3FAB] =	sst s1  }
0xa: {  	[smem:$0x3FAC] =	sst s2  }
0xb: {  	[smem:$0x3FAD] =	sst s3  }
0xc: {  	[smem:$0x3FAE] =	sst s4  }
0xd: {  	[smem:$0x3FAF] =	sst s5  }
0xe: {  	[smem:$0x3FB0] =	sst s6  }
0xf: {  	[smem:$0x3FB1] =	sst s7  }
0x10: {  	[smem:$0x3FB2] =	sst s8  }
0x11: {  	[smem:$0x3FB3] =	sst s9;
	s0 =	simm.s32 @!p0 $0x0  }
0x12: {  	s1 =	sld [smem:$0x3F99];
	s0 =	simm.s32 @p0 $0x1  }
0x13: {  	[smem:$0x3FB4] =	sst s0;
	s0 =	simm.s32 @!p1 $0x0  }
0x14: {  	s2 =	sld [smem:$0x3F98];
	s0 =	simm.s32 @p1 $0x1  }
0x15: {  	[smem:$0x3FB5] =	sst s0;
	s0 =	simm.s32 @!p2 $0x0  }
0x16: {  	s3 =	sld [smem:$0x3FDB];
	s0 =	simm.s32 @p2 $0x1  }
0x17: {  	s4 =	simm.s32 $0x1BF5;
	[smem:$0x3FB7] =	sst s0  }
0x18: {  	s0 =	sld [smem:$0x3F9A];
	_ =	swait.ge [sflag:s4], $0x0  }
0x19: {  	s7 =	sld [smem:$0x3F9B]  }
0x1a: {  	s8 =	sadd.s32 $0xFFFFE003, lr  }
0x1b: {  	s9 =	sadd.s32 $0xFFFFFEF7, lr;
	s5 =	simm.s32 $0xFFFFFFFF;
	p2 =	slt.u32 s8, $0xFFFFF086  }
0x1c: {  	p1 =	slt.u32 s9, $0xF7A;
	s5 =	simm.s32 @!p2 $0x0  }
0x1d: {  	s5 =	simm.s32 @p1 $0x1;
	p0 =	seq.s32 s7, s2  }
0x1e: {  	s7 =	smul.u32 @!p0 $0xF7A, s2;
	p2 =	seq.s32 @!p0 s5, $0x0  }
0x1f: {  	s9 =	smul.u32 $0xF7A, s1;
	s8 =	simm.s32 @!p0 $0x1BF5;
	p2 =	por !p2, p0  }
0x20: {  	[sflag:s8] =	ssyncset.s32 @!p0 $0xFFFFF086;
	s6 =	sadd.s32 @!p0 s3, s7;
	s7 =	simm.s32 @!p0 $0x108  }
0x21: {  	s3 =	sadd.s32 s3, s9;
	s6 =	sadd.s32 @!p0 $0x88, s6;
	s7 =	simm.s32 @p2 $0x1082  }
0x22: {  	[simem:s7], [sflag:s8] =	dma.local @!p0 [hbm:s6], $0xF7A  }
0x23: {  	s9 =	sor.u32 $0xD0000000, s2;
	s6 =	simm.s32 $0x108;
	_ =	swait.ge @!p0 [sflag:s8], $0x0  }
0x24: {  	s3 =	sadd.s32 $0x88, s3;
	s6 =	simm.s32 @!p1 $0x1082;
	[sflag:s4] =	ssyncset.s32 $0xFFFFF086  }
0x25: {  	[simem:s6], [sflag:s4] =	dma.local [hbm:s3], $0xF7A  }
0x26: {  	[smem:$0x3F9B] =	sst s1;
	(tag) =	ssettag s2;
	_ =	strace s9  }
0x27: {  	s1 =	sld [smem:$0x3FAB]  }
0x28: {  	s2 =	sld [smem:$0x3FAC]  }
0x29: {  	s4 =	sld [smem:$0x3FAE]  }
0x2a: {  	p0 =	seq.s32 s5, $0x0;
	s5 =	sld [smem:$0x3FAF]  }
0x2b: {  	s6 =	sld [smem:$0x3FB0]  }
0x2c: {  	s7 =	sld [smem:$0x3FB1]  }
0x2d: {  	s3 =	simm.s32 $0x108;
	s8 =	sld [smem:$0x3FB2]  }
0x2e: {  	s3 =	simm.s32 @!p0 $0x1082;
	s9 =	sld [smem:$0x3FB3]  }
0x2f: {  	lr =	sadd.s32 s0, s3;
	s0 =	sld [smem:$0x3FAA]  }
0x30: {  	s3 =	sld [smem:$0x3FAD]  }
0x31: {  	[smem:$0x3FB6] =	sst s10  }
0x32: {  	s10 =	sld [smem:$0x3FB4];
	_ =	sdelay $0x3  }
0x33: {  	p0 =	seq.s32 s10, $0x1;
	s10 =	sld [smem:$0x3FB6];
	_ =	sdelay $0x3  }
0x34: {  	[smem:$0x3FB6] =	sst s10  }
0x35: {  	s10 =	sld [smem:$0x3FB5];
	_ =	sdelay $0x3  }
0x36: {  	p1 =	seq.s32 s10, $0x1;
	s10 =	sld [smem:$0x3FB6];
	_ =	sdelay $0x3  }
0x37: {  	[smem:$0x3FB6] =	sst s10  }
0x38: {  	s10 =	sld [smem:$0x3FB7]  }
0x39: {  	_ = 	snop;
	(pc) =	sbr.ind lr, $3  }
0x3a: {  	_ = 	snop  }
0x3b: {  	_ = 	snop  }
0x3c: {  	p2 =	seq.s32 s10, $0x1;
	s10 =	sld [smem:$0x3FB6]  }
0x3d: {  	_ =	shalt  }
0x3e: {  	_ =	shalt  }
0x3f: {  	_ =	shalt  }
0x40: {  	_ =	shalt  }
0x41: {  	_ =	shalt  }
0x42: {  	_ =	shalt  }
0x43: {  	_ =	shalt  }
0x44: {  	_ =	shalt  }
0x45: {  	_ =	shalt  }
0x46: {  	_ =	shalt  }
0x47: {  	_ =	shalt  }
0x48: {  	_ =	shalt  }
0x49: {  	_ =	shalt  }
0x4a: {  	_ =	shalt  }
0x4b: {  	_ =	shalt  }
0x4c: {  	_ =	shalt  }
0x4d: {  	_ =	shalt  }
0x4e: {  	_ =	shalt  }
0x4f: {  	_ =	shalt  }
0x50: {  	_ =	shalt  }
0x51: {  	_ =	shalt  }
0x52: {  	_ =	shalt  }
0x53: {  	_ =	shalt  }
0x54: {  	_ =	shalt  }
0x55: {  	_ =	shalt  }
0x56: {  	_ =	shalt  }
0x57: {  	_ =	shalt  }
0x58: {  	_ =	shalt  }
0x59: {  	_ =	shalt  }
0x5a: {  	_ =	shalt  }
0x5b: {  	_ =	shalt  }
0x5c: {  	_ =	shalt  }
0x5d: {  	_ =	shalt  }
0x5e: {  	_ =	shalt  }
0x5f: {  	_ =	shalt  }
0x60: {  	_ =	shalt  }
0x61: {  	_ =	shalt  }
0x62: {  	_ =	shalt  }
0x63: {  	_ =	shalt  }
0x64: {  	_ =	shalt  }
0x65: {  	_ =	shalt  }
0x66: {  	_ =	shalt  }
0x67: {  	_ =	shalt  }
0x68: {  	_ =	shalt  }
0x69: {  	_ =	shalt  }
0x6a: {  	_ =	shalt  }
0x6b: {  	_ =	shalt  }
0x6c: {  	_ =	shalt  }
0x6d: {  	_ =	shalt  }
0x6e: {  	_ =	shalt  }
0x6f: {  	_ =	shalt  }
0x70: {  	_ =	shalt  }
0x71: {  	_ =	shalt  }
0x72: {  	_ =	shalt  }
0x73: {  	_ =	shalt  }
0x74: {  	_ =	shalt  }
0x75: {  	_ =	shalt  }
0x76: {  	_ =	shalt  }
0x77: {  	_ =	shalt  }
0x78: {  	_ =	shalt  }
0x79: {  	_ =	shalt  }
0x7a: {  	_ =	shalt  }
0x7b: {  	_ =	shalt  }
0x7c: {  	_ =	shalt  }
0x7d: {  	_ =	shalt  }
0x7e: {  	_ =	shalt  }
0x7f: {  	_ =	shalt  }
0x80: {  	_ =	shalt  }
0x81: {  	_ =	shalt  }
0x82: {  	_ =	shalt  }
0x83: {  	_ =	shalt  }
0x84: {  	_ =	shalt  }
0x85: {  	_ =	shalt  }
0x86: {  	_ =	shalt  }
0x87: {  	_ =	shalt  }
.Lfunc_end0:
.L_simem_size_0:
called_computation.1_lowered:
.L_overlay_start_0:
0x88: {  	s2 =	sld [smem:$0x3FD9]  }
0x89: {  	s3 =	sld [smem:$0x3FFE];
	_ =	sdelay $0x1  }
0x8a: {  	s1 =	srdreg.scid  }
0x8b: {  	s0 =	sand.u32 $0x1, s1  }
0x8c: {  	s17 =	sshll.u32 s0, $0xA;
	s2 =	sadd.s32 s3, s2  }
0x8d: {  	s2 =	sadd.s32 s2, s17  }
0x8e: {  	[smem:$0x3FC2] =	sst s2  }
0x8f: {  	_ = 	snop  }
0x90: {  	(tm) =	ssettm $0x1  }
0x91: {  	s18 =	sld [smem:$0x3FFB];
	_ =	sdelay $0x3  }
0x92: {  	_ =	strace s18  }
0x93: {  	s2 =	sld [smem:$0x3FFC];
	_ =	sdelay $0x3  }
0x94: {  	_ =	strace s2  }
0x95: {  	s2 =	sld [smem:$0x3FFD];
	_ =	sdelay $0x3  }
0x96: {  	_ =	strace s2  }
0x97: {  	_ =	strace $0x8FFFFFFF  }
0x98: {  	s19 =	sld [smem:$0x3FDB];
	_ =	sdelay $0x1  }
0x99: {  	s20 =	simm.s32 $_scs_section_size  }
0x9a: {  	s4 =	simm.s32 $_size__tile_overlayer_lowered;
	s5 =	simm.s32 $_tile_overlayer_lowered  }
0x9b: {  	s6 =	simm.s32 $0x1BFF;
	s21 =	sshll.u32 s5, $0x1;
	s3 =	sadd.s32 s20, s19  }
0x9c: {  	s22 =	simm.s32 $0x0;
	s4 =	sshll.u32 s4, $0x1;
	s5 =	sadd.s32 s21, s3  }
0x9d: {  	[timem:s22], [sflag:s6] =	dma.local [hbm:s5], s4  }
0x9e: {  	_ =	swait.ge [sflag:s6], s4  }
0x9f: {  	s4 =	ssub.s32 $0x0, s4;
	[sflag:s6] =	ssyncset.done $0x0  }
0xa0: {  	[sflag:s6] =	ssyncadd.s32 s4;
	_ =	sdelay $0x1  }
0xa1: {  	s23 =	simm.s32 $0x1B8B  }
0xa2: {  	_ =	swait.ge [sflag:s23], $0x1  }
0xa3: {  	[sflag:s23] =	ssyncset.done $0x0  }
0xa4: {  	[sflag:s23] =	ssyncadd.s32 $0xFFFFFFFF  }
0xa5: {  	s4 =	sld [smem:$0x0]  }
0xa6: {  	s5 =	sand.u32 $0xFFFFFFFE, s1  }
0xa7: {  	p0 =	sne.s32 s1, s5  }
0xa8: {  	s5 =	sshll.u32 @p0 s5, $0xE  }
0xa9: {  	s5 =	sadd.s32 @p0 $0x11B8D, s5;
	s6 =	sshll.u32 @p0 s4, $0x11  }
0xaa: {  	s5 =	sor.u32 @p0 s6, s5  }
0xab: {  	[sflag:s5] =	ssyncadd.remote.s32 @p0 $0x1;
	_ =	sdelay $0x1  }
0xac: {  	s5 =	simm.s32 @p0 $0x1B8D  }
0xad: {  	_ =	swait.eq @p0 [sflag:s5], $0x1  }
0xae: {  	[sflag:s5] =	ssyncadd.s32 @p0 $0xFFFFFFFF  }
0xaf: {  	s6 =	sshll.u32 @!p0 s1, $0xE  }
0xb0: {  	s6 =	sor.u32 @!p0 $0x4000, s6;
	s5 =	simm.s32 @!p0 $0x1B8D  }
0xb1: {  	s4 =	sshll.u32 @!p0 s4, $0x11;
	s6 =	sadd.s32 @!p0 $0x11B8D, s6;
	_ =	swait.eq @!p0 [sflag:s5], $0x1  }
0xb2: {  	s4 =	sor.u32 @!p0 s4, s6;
	[sflag:s5] =	ssyncadd.s32 @!p0 $0xFFFFFFFF  }
0xb3: {  	s25 =	simm.s32 $0x1B8E;
	s24 =	sld [smem:$0x3FFE];
	[sflag:s4] =	ssyncadd.remote.s32 @!p0 $0x1  }
0xb4: {  	s26 =	simm.s32 $execute0_lowered;
	[smem:$0x3FD2] =	sst s25  }
0xb5: {  	s5 =	sshll.u32 s26, $0x1;
	_ =	strace $0x80000049;
	[dreg:$0x1] =	wrdreg $0xFFFFFFFF  }
0xb6: {  	s28 =	simm.s32 $_size_execute0_lowered;
	s3 =	sadd.s32 s3, s5;
	[dreg:$0x0] =	wrdreg $0x0  }
0xb7: {  	s5 =	sshll.u32 s28, $0x1;
	[dreg:$0x2] =	wrdreg s3  }
0xb8: {  	[dreg:$0x3] =	wrdreg s5  }
0xb9: {  	[dreg:$0x4] =	wrdreg $0xC0  }
0xba: {  	_ =	task [dreg:s22], $0x5FFFF  }
0xbb: {  	[dreg:$0x1] =	wrdreg $0xFFFFFFFF  }
0xbc: {  	[dreg:$0x0] =	wrdreg $0x60  }
0xbd: {  	[dreg:$0x2] =	wrdreg s24  }
0xbe: {  	[dreg:$0x3] =	wrdreg $0xA  }
0xbf: {  	_ =	task.clear_ibuf [dreg:s22], $0x4FFFF;
	_ =	strace $0x90000049  }
0xc0: {  	s29 =	simm.s32 $0xA;
	_ =	strace $0x8000004B  }
0xc1: {  	_ =	swait.ge [sflag:s29], $0x1  }
0xc2: {  	[sflag:s29] =	ssyncadd.s32 $0xFFFFFFFF  }
0xc3: {  	_ =	strace $0x9000004B  }
0xc4: {  	_ =	sfence  }
0xc5: {  	s30 =	sld [smem:$0x0];
	_ =	sdelay $0x2  }
0xc6: {  	s31 =	sshll.u32 s1, $0xD;
	s1 =	sshrl.u32 s1, $0x2  }
0xc7: {  	s4 =	sand.u32 $0x4000, s31;
	s1 =	sadd.s32 s1, s30  }
0xc8: {  	s0 =	sor.u32 s4, s0;
	s1 =	sshll.u32 s1, $0x11  }
0xc9: {  	s0 =	sor.u32 s1, s0  }
0xca: {  	s0 =	sadd.s32 $0x8F2B, s0  }
0xcb: {  	[sflag:s0] =	ssyncadd.remote.s32 $0x1  }
0xcc: {  	_ =	sfence.sel $0xFFFF  }
0xcd: {  	[dreg:$0x0] =	wrdreg $0xFFFFFFFF;
	(pc) =	sbr.abs _section_cstart, $3  }
0xce: {  	[dreg:$0x1] =	wrdreg $0xFFFFFFFF  }
0xcf: {  	_ =	task.clear_ibuf [dreg:s22], $0x2FFFF;
	_ =	strace $0x9FFFFFFF  }
0xd0: {  	(tm) =	ssettm $0x7FFFFFFF  }
0xd1: {  	_ =	shalt  }
tec
execute0_lowered:
.L_overlay_start_1:
0x0: {  	(tag) =	ssettag $0x1  }
0x1: {  	s1 =	srdreg.scid;
	s0 =	stileid.u32  }
0x2: {  	s8 =	sand.u32 $0x1, s1;
	s30 =	sshll.u32 s0, $0x1  }
0x3: {  	s7 =	rddreg [dreg:$0x0];
	s2 =	simm.s32 $0x0;
	s9 =	sor.u32 s8, s30  }
0x4: {  	s5 =	simm.s32 $0x80;
	s1 =	rddreg [dreg:$0x1];
	s3 =	sshll.u32 s9, $0x4  }
0x5: {  	s6 =	simm.s32 $0x1000;
	[smem:$0x7FF] =	sst s2;
	s3 =	sadd.s32 s3, s7  }
0x6: {  	_ =	strace $0x8000004A;
	s4 =	sadd.s32 $0x1A81E00, s3;
	s3 =	simm.s32 $0x1  }
0x7: {  	[tilespmem:s2], [sflag:$0x1] =	stream.strided.gather [hbm4b:s4+s5], $0x1900, s6, s5, $0x38;
	[tilespmem:$0x1C80] =	vst v63  }
0x8: {  	_ =	swait.ge [sflag:s3], $0x1900  }
0x9: {  	[sflag:s3] =	ssyncset.done $0x0  }
0xa: {  	[sflag:s3] =	ssyncadd.s32 $0xFFFFE700  }
0xb: {  	v0 =	vld [tilespmem:$0x0]  }
0xc: {  	v1 =	vld [tilespmem:$0x10]  }
0xd: {  	v2 =	vld [tilespmem:$0x80]  }
0xe: {  	v3 =	vld [tilespmem:$0x90]  }
0xf: {  	v4 =	vld [tilespmem:$0x100]  }
0x10: {  	v5 =	vld [tilespmem:$0x110];
	v0 =	vadd.f32 $0.0e+00, v0  }
0x11: {  	v6 =	vld [tilespmem:$0x180];
	v1 =	vadd.f32 $0.0e+00, v1  }
0x12: {  	v7 =	vld [tilespmem:$0x190];
	v0 =	vadd.f32 v2, v0  }
0x13: {  	v27 =	vld [tilespmem:$0x200];
	v1 =	vadd.f32 v3, v1  }
0x14: {  	v28 =	vld [tilespmem:$0x210];
	v0 =	vadd.f32 v4, v0  }
0x15: {  	v29 =	vld [tilespmem:$0x280];
	v1 =	vadd.f32 v5, v1  }
0x16: {  	v30 =	vld [tilespmem:$0x290];
	v0 =	vadd.f32 v6, v0  }
0x17: {  	v31 =	vld [tilespmem:$0x300];
	v1 =	vadd.f32 v7, v1  }
0x18: {  	v32 =	vld [tilespmem:$0x310];
	v0 =	vadd.f32 v27, v0  }
0x19: {  	v33 =	vld [tilespmem:$0x380];
	v1 =	vadd.f32 v28, v1  }
0x1a: {  	v34 =	vld [tilespmem:$0x390];
	v0 =	vadd.f32 v29, v0  }
0x1b: {  	v35 =	vld [tilespmem:$0x400];
	v1 =	vadd.f32 v30, v1  }
0x1c: {  	v36 =	vld [tilespmem:$0x410];
	v0 =	vadd.f32 v31, v0  }
0x1d: {  	v37 =	vld [tilespmem:$0x480];
	v1 =	vadd.f32 v32, v1  }
0x1e: {  	v38 =	vld [tilespmem:$0x490];
	v0 =	vadd.f32 v33, v0  }
0x1f: {  	v39 =	vld [tilespmem:$0x500];
	v1 =	vadd.f32 v34, v1  }
0x20: {  	v40 =	vld [tilespmem:$0x510];
	v0 =	vadd.f32 v35, v0  }
0x21: {  	v41 =	vld [tilespmem:$0x580];
	v1 =	vadd.f32 v36, v1  }
0x22: {  	v42 =	vld [tilespmem:$0x590];
	v0 =	vadd.f32 v37, v0  }
0x23: {  	v43 =	vld [tilespmem:$0x600];
	v1 =	vadd.f32 v38, v1  }
0x24: {  	v44 =	vld [tilespmem:$0x610];
	v0 =	vadd.f32 v39, v0  }
0x25: {  	v45 =	vld [tilespmem:$0x680];
	v1 =	vadd.f32 v40, v1  }
0x26: {  	v46 =	vld [tilespmem:$0x690];
	v0 =	vadd.f32 v41, v0  }
0x27: {  	v47 =	vld [tilespmem:$0x700];
	v1 =	vadd.f32 v42, v1  }
0x28: {  	v48 =	vld [tilespmem:$0x710];
	v0 =	vadd.f32 v43, v0  }
0x29: {  	v49 =	vld [tilespmem:$0x780];
	v1 =	vadd.f32 v44, v1  }
0x2a: {  	v50 =	vld [tilespmem:$0x790];
	v0 =	vadd.f32 v45, v0  }
0x2b: {  	v51 =	vld [tilespmem:$0x800];
	v1 =	vadd.f32 v46, v1  }
0x2c: {  	v52 =	vld [tilespmem:$0x810];
	v0 =	vadd.f32 v47, v0  }
0x2d: {  	v53 =	vld [tilespmem:$0x880];
	v1 =	vadd.f32 v48, v1  }
0x2e: {  	v54 =	vld [tilespmem:$0x890];
	v0 =	vadd.f32 v49, v0  }
0x2f: {  	v55 =	vld [tilespmem:$0x900];
	v1 =	vadd.f32 v50, v1  }
0x30: {  	v56 =	vld [tilespmem:$0x910];
	v0 =	vadd.f32 v51, v0  }
0x31: {  	v57 =	vld [tilespmem:$0x980];
	v1 =	vadd.f32 v52, v1  }
0x32: {  	v58 =	vld [tilespmem:$0x990];
	v0 =	vadd.f32 v53, v0  }
0x33: {  	v59 =	vld [tilespmem:$0xA00];
	v1 =	vadd.f32 v54, v1  }
0x34: {  	v60 =	vld [tilespmem:$0xA10];
	v0 =	vadd.f32 v55, v0  }
0x35: {  	v61 =	vld [tilespmem:$0xA80];
	v1 =	vadd.f32 v56, v1  }
0x36: {  	v62 =	vld [tilespmem:$0xA90];
	v0 =	vadd.f32 v57, v0  }
0x37: {  	v63 =	vld [tilespmem:$0xB00];
	v1 =	vadd.f32 v58, v1  }
0x38: {  	v9 =	vld [tilespmem:$0xB10];
	v0 =	vadd.f32 v59, v0  }
0x39: {  	v10 =	vld [tilespmem:$0xB80];
	v1 =	vadd.f32 v60, v1  }
0x3a: {  	v11 =	vld [tilespmem:$0xB90];
	v0 =	vadd.f32 v61, v0  }
0x3b: {  	v12 =	vld [tilespmem:$0xC00];
	v1 =	vadd.f32 v62, v1  }
0x3c: {  	v13 =	vld [tilespmem:$0xC10];
	v0 =	vadd.f32 v63, v0  }
0x3d: {  	v14 =	vld [tilespmem:$0xC80];
	v1 =	vadd.f32 v9, v1  }
0x3e: {  	v15 =	vld [tilespmem:$0xC90];
	v0 =	vadd.f32 v10, v0  }
0x3f: {  	v16 =	vld [tilespmem:$0xD00];
	v1 =	vadd.f32 v11, v1  }
0x40: {  	v17 =	vld [tilespmem:$0xD10];
	v0 =	vadd.f32 v12, v0  }
0x41: {  	v18 =	vld [tilespmem:$0xD80];
	v1 =	vadd.f32 v13, v1  }
0x42: {  	v19 =	vld [tilespmem:$0xD90];
	v0 =	vadd.f32 v14, v0  }
0x43: {  	v20 =	vld [tilespmem:$0xE00];
	v1 =	vadd.f32 v15, v1  }
0x44: {  	v21 =	vld [tilespmem:$0xE10];
	v0 =	vadd.f32 v16, v0  }
0x45: {  	v22 =	vld [tilespmem:$0xE80];
	v1 =	vadd.f32 v17, v1  }
0x46: {  	v23 =	vld [tilespmem:$0xE90];
	v0 =	vadd.f32 v18, v0  }
0x47: {  	v24 =	vld [tilespmem:$0xF00];
	v1 =	vadd.f32 v19, v1  }
0x48: {  	v25 =	vld [tilespmem:$0xF10];
	v0 =	vadd.f32 v20, v0  }
0x49: {  	v26 =	vld [tilespmem:$0xF80];
	v1 =	vadd.f32 v21, v1  }
0x4a: {  	v27 =	vld [tilespmem:$0xF90];
	v0 =	vadd.f32 v22, v0  }
0x4b: {  	v28 =	vld [tilespmem:$0x1000];
	v1 =	vadd.f32 v23, v1  }
0x4c: {  	v29 =	vld [tilespmem:$0x1010];
	v0 =	vadd.f32 v24, v0  }
0x4d: {  	v30 =	vld [tilespmem:$0x1080];
	v1 =	vadd.f32 v25, v1  }
0x4e: {  	v31 =	vld [tilespmem:$0x1090];
	v0 =	vadd.f32 v26, v0  }
0x4f: {  	v32 =	vld [tilespmem:$0x1100];
	v1 =	vadd.f32 v27, v1  }
0x50: {  	v33 =	vld [tilespmem:$0x1110];
	v0 =	vadd.f32 v28, v0  }
0x51: {  	v34 =	vld [tilespmem:$0x1180];
	v1 =	vadd.f32 v29, v1  }
0x52: {  	v35 =	vld [tilespmem:$0x1190];
	v0 =	vadd.f32 v30, v0  }
0x53: {  	v36 =	vld [tilespmem:$0x1200];
	v1 =	vadd.f32 v31, v1  }
0x54: {  	v37 =	vld [tilespmem:$0x1210];
	v0 =	vadd.f32 v32, v0  }
0x55: {  	v38 =	vld [tilespmem:$0x1280];
	v1 =	vadd.f32 v33, v1  }
0x56: {  	v39 =	vld [tilespmem:$0x1290];
	v0 =	vadd.f32 v34, v0  }
0x57: {  	v40 =	vld [tilespmem:$0x1300];
	v1 =	vadd.f32 v35, v1  }
0x58: {  	v41 =	vld [tilespmem:$0x1310];
	v0 =	vadd.f32 v36, v0  }
0x59: {  	v42 =	vld [tilespmem:$0x1380];
	v1 =	vadd.f32 v37, v1  }
0x5a: {  	v43 =	vld [tilespmem:$0x1390];
	v0 =	vadd.f32 v38, v0  }
0x5b: {  	v44 =	vld [tilespmem:$0x1400];
	v1 =	vadd.f32 v39, v1  }
0x5c: {  	v45 =	vld [tilespmem:$0x1410];
	v0 =	vadd.f32 v40, v0  }
0x5d: {  	v46 =	vld [tilespmem:$0x1480];
	v1 =	vadd.f32 v41, v1  }
0x5e: {  	v47 =	vld [tilespmem:$0x1490];
	v0 =	vadd.f32 v42, v0  }
0x5f: {  	v48 =	vld [tilespmem:$0x1500];
	v1 =	vadd.f32 v43, v1  }
0x60: {  	v49 =	vld [tilespmem:$0x1510];
	v0 =	vadd.f32 v44, v0  }
0x61: {  	v50 =	vld [tilespmem:$0x1580];
	v1 =	vadd.f32 v45, v1  }
0x62: {  	v51 =	vld [tilespmem:$0x1590];
	v0 =	vadd.f32 v46, v0  }
0x63: {  	v52 =	vld [tilespmem:$0x1600];
	v1 =	vadd.f32 v47, v1  }
0x64: {  	v53 =	vld [tilespmem:$0x1610];
	v0 =	vadd.f32 v48, v0  }
0x65: {  	v54 =	vld [tilespmem:$0x1680];
	v1 =	vadd.f32 v49, v1  }
0x66: {  	v55 =	vld [tilespmem:$0x1690];
	v0 =	vadd.f32 v50, v0  }
0x67: {  	v56 =	vld [tilespmem:$0x1700];
	v1 =	vadd.f32 v51, v1  }
0x68: {  	v57 =	vld [tilespmem:$0x1710];
	v0 =	vadd.f32 v52, v0  }
0x69: {  	v58 =	vld [tilespmem:$0x1780];
	v1 =	vadd.f32 v53, v1  }
0x6a: {  	v59 =	vld [tilespmem:$0x1790];
	v0 =	vadd.f32 v54, v0  }
0x6b: {  	v60 =	vld [tilespmem:$0x1800];
	v1 =	vadd.f32 v55, v1  }
0x6c: {  	v61 =	vld [tilespmem:$0x1810];
	v0 =	vadd.f32 v56, v0  }
0x6d: {  	s8 =	ssub.s32 $0x2, s8;
	v62 =	vld [tilespmem:$0x1880];
	v1 =	vadd.f32 v57, v1  }
0x6e: {  	s10 =	sshrl.u32 s8, $0x1;
	v63 =	vld [tilespmem:$0x1890];
	v0 =	vadd.f32 v58, v0  }
0x6f: {  	s8 =	ssub.s32 s8, s10;
	v1 =	vadd.f32 v59, v1  }
0x70: {  	s31 =	smax.u32 s8, $0x1;
	v0 =	vadd.f32 v60, v0  }
0x71: {  	p0 =	sne.s32 s31, $0x1;
	v1 =	vadd.f32 v61, v1  }
.Ltmp0:
0x72: {  	v0 =	vadd.f32 v62, v0;
	(pc) =	sbr.rel @!p0 .LBB2_2-.Ltmp0, $4  }
0x73: {  	s9 =	sshll.u32 s9, $0x2;
	v1 =	vadd.f32 v63, v1  }
0x74: {  	s7 =	sadd.s32 s9, s7;
	[tilespmem:$0x1C00] =	vst v0  }
0x75: {  	s7 =	sadd.s32 $0x1A88200, s7;
	s8 =	simm.s32 $0x1C00;
	s9 =	sadd.s32 $0xFFFFFFFF, s31;
	[tilespmem:$0x1C10] =	vst v1  }
0x76: {  	[hbm4b:s7+s2] =	stream.linear.scatter [tilespmem:s8], [sflag:$0x1], $0x20, $0x38;
	[tilespmem:$0x1C80] =	vst v63  }
.LBB2_1:
0x77: {  	p0 =	sne.s32 s9, $0x1;
	s9 =	sadd.s32 $0xFFFFFFFF, s9;
	_ =	swait.ge [sflag:s3], $0x20  }
0x78: {  	[sflag:s3] =	ssyncset.done $0x0  }
0x79: {  	[sflag:s3] =	ssyncadd.s32 $0xFFFFFFE0  }
0x7a: {  	[tilespmem:s2], [sflag:$0x1] =	stream.strided.gather [hbm4b:s4+s5], $0x1900, s6, s5, $0x38;
	[tilespmem:$0x1C80] =	vst v63  }
0x7b: {  	_ =	swait.ge [sflag:s3], $0x1900  }
0x7c: {  	[sflag:s3] =	ssyncset.done $0x0  }
0x7d: {  	[sflag:s3] =	ssyncadd.s32 $0xFFFFE700  }
0x7e: {  	v0 =	vld [tilespmem:$0x90]  }
0x7f: {  	v1 =	vld [tilespmem:$0x0]  }
0x80: {  	v2 =	vld [tilespmem:$0x10]  }
0x81: {  	v3 =	vld [tilespmem:$0x80]  }
0x82: {  	v4 =	vld [tilespmem:$0x110]  }
0x83: {  	v5 =	vld [tilespmem:$0x100]  }
0x84: {  	v1 =	vadd.f32 $0.0e+00, v1;
	v6 =	vld [tilespmem:$0x190]  }
0x85: {  	v7 =	vld [tilespmem:$0x180];
	v2 =	vadd.f32 $0.0e+00, v2  }
0x86: {  	v1 =	vadd.f32 v3, v1;
	v3 =	vld [tilespmem:$0x210]  }
0x87: {  	v8 =	vld [tilespmem:$0x200];
	v0 =	vadd.f32 v0, v2  }
0x88: {  	v1 =	vadd.f32 v5, v1;
	v2 =	vld [tilespmem:$0x290]  }
0x89: {  	v5 =	vld [tilespmem:$0x280];
	v0 =	vadd.f32 v4, v0  }
0x8a: {  	v1 =	vadd.f32 v7, v1;
	v4 =	vld [tilespmem:$0x310]  }
0x8b: {  	v7 =	vld [tilespmem:$0x300];
	v0 =	vadd.f32 v6, v0  }
0x8c: {  	v1 =	vadd.f32 v8, v1;
	v6 =	vld [tilespmem:$0x390]  }
0x8d: {  	v8 =	vld [tilespmem:$0x380];
	v0 =	vadd.f32 v3, v0  }
0x8e: {  	v1 =	vadd.f32 v5, v1;
	v3 =	vld [tilespmem:$0x410]  }
0x8f: {  	v5 =	vld [tilespmem:$0x400];
	v0 =	vadd.f32 v2, v0  }
0x90: {  	v1 =	vadd.f32 v7, v1;
	v2 =	vld [tilespmem:$0x490]  }
0x91: {  	v7 =	vld [tilespmem:$0x480];
	v0 =	vadd.f32 v4, v0  }
0x92: {  	v1 =	vadd.f32 v8, v1;
	v4 =	vld [tilespmem:$0x510]  }
0x93: {  	v8 =	vld [tilespmem:$0x500];
	v0 =	vadd.f32 v6, v0  }
0x94: {  	v1 =	vadd.f32 v5, v1;
	v5 =	vld [tilespmem:$0x590]  }
0x95: {  	v6 =	vld [tilespmem:$0x580];
	v0 =	vadd.f32 v3, v0  }
0x96: {  	v1 =	vadd.f32 v7, v1;
	v3 =	vld [tilespmem:$0x610]  }
0x97: {  	v7 =	vld [tilespmem:$0x600];
	v0 =	vadd.f32 v2, v0  }
0x98: {  	v1 =	vadd.f32 v8, v1;
	v2 =	vld [tilespmem:$0x690]  }
0x99: {  	v8 =	vld [tilespmem:$0x680];
	v0 =	vadd.f32 v4, v0  }
0x9a: {  	v1 =	vadd.f32 v6, v1;
	v4 =	vld [tilespmem:$0x710]  }
0x9b: {  	v6 =	vld [tilespmem:$0x700];
	v0 =	vadd.f32 v5, v0  }
0x9c: {  	v1 =	vadd.f32 v7, v1;
	v5 =	vld [tilespmem:$0x790]  }
0x9d: {  	v7 =	vld [tilespmem:$0x780];
	v0 =	vadd.f32 v3, v0  }
0x9e: {  	v1 =	vadd.f32 v8, v1;
	v3 =	vld [tilespmem:$0x810]  }
0x9f: {  	v8 =	vld [tilespmem:$0x800];
	v0 =	vadd.f32 v2, v0  }
0xa0: {  	v1 =	vadd.f32 v6, v1;
	v2 =	vld [tilespmem:$0x890]  }
0xa1: {  	v6 =	vld [tilespmem:$0x880];
	v0 =	vadd.f32 v4, v0  }
0xa2: {  	v1 =	vadd.f32 v7, v1;
	v4 =	vld [tilespmem:$0x910]  }
0xa3: {  	v7 =	vld [tilespmem:$0x900];
	v0 =	vadd.f32 v5, v0  }
0xa4: {  	v1 =	vadd.f32 v8, v1;
	v5 =	vld [tilespmem:$0x990]  }
0xa5: {  	v8 =	vld [tilespmem:$0x980];
	v0 =	vadd.f32 v3, v0  }
0xa6: {  	v1 =	vadd.f32 v6, v1;
	v3 =	vld [tilespmem:$0xA10]  }
0xa7: {  	v6 =	vld [tilespmem:$0xA00];
	v0 =	vadd.f32 v2, v0  }
0xa8: {  	v1 =	vadd.f32 v7, v1;
	v2 =	vld [tilespmem:$0xA90]  }
0xa9: {  	v7 =	vld [tilespmem:$0xA80];
	v0 =	vadd.f32 v4, v0  }
0xaa: {  	v1 =	vadd.f32 v8, v1;
	v4 =	vld [tilespmem:$0xB10]  }
0xab: {  	v8 =	vld [tilespmem:$0xB00];
	v0 =	vadd.f32 v5, v0  }
0xac: {  	v1 =	vadd.f32 v6, v1;
	v5 =	vld [tilespmem:$0xB90]  }
0xad: {  	v6 =	vld [tilespmem:$0xB80];
	v0 =	vadd.f32 v3, v0  }
0xae: {  	v1 =	vadd.f32 v7, v1;
	v3 =	vld [tilespmem:$0xC10]  }
0xaf: {  	v7 =	vld [tilespmem:$0xC00];
	v0 =	vadd.f32 v2, v0  }
0xb0: {  	v1 =	vadd.f32 v8, v1;
	v2 =	vld [tilespmem:$0xC90]  }
0xb1: {  	v8 =	vld [tilespmem:$0xC80];
	v0 =	vadd.f32 v4, v0  }
0xb2: {  	v1 =	vadd.f32 v6, v1;
	v4 =	vld [tilespmem:$0xD10]  }
0xb3: {  	v6 =	vld [tilespmem:$0xD00];
	v0 =	vadd.f32 v5, v0  }
0xb4: {  	v1 =	vadd.f32 v7, v1;
	v5 =	vld [tilespmem:$0xD90]  }
0xb5: {  	v7 =	vld [tilespmem:$0xD80];
	v0 =	vadd.f32 v3, v0  }
0xb6: {  	v1 =	vadd.f32 v8, v1;
	v3 =	vld [tilespmem:$0xE10]  }
0xb7: {  	v8 =	vld [tilespmem:$0xE00];
	v0 =	vadd.f32 v2, v0  }
0xb8: {  	v1 =	vadd.f32 v6, v1;
	v2 =	vld [tilespmem:$0xE90]  }
0xb9: {  	v6 =	vld [tilespmem:$0xE80];
	v0 =	vadd.f32 v4, v0  }
0xba: {  	v1 =	vadd.f32 v7, v1;
	v4 =	vld [tilespmem:$0xF10]  }
0xbb: {  	v7 =	vld [tilespmem:$0xF00];
	v0 =	vadd.f32 v5, v0  }
0xbc: {  	v1 =	vadd.f32 v8, v1;
	v5 =	vld [tilespmem:$0xF90]  }
0xbd: {  	v8 =	vld [tilespmem:$0xF80];
	v0 =	vadd.f32 v3, v0  }
0xbe: {  	v1 =	vadd.f32 v6, v1;
	v3 =	vld [tilespmem:$0x1010]  }
0xbf: {  	v6 =	vld [tilespmem:$0x1000];
	v0 =	vadd.f32 v2, v0  }
0xc0: {  	v1 =	vadd.f32 v7, v1;
	v2 =	vld [tilespmem:$0x1090]  }
0xc1: {  	v7 =	vld [tilespmem:$0x1080];
	v0 =	vadd.f32 v4, v0  }
0xc2: {  	v1 =	vadd.f32 v8, v1;
	v4 =	vld [tilespmem:$0x1110]  }
0xc3: {  	v8 =	vld [tilespmem:$0x1100];
	v0 =	vadd.f32 v5, v0  }
0xc4: {  	v1 =	vadd.f32 v6, v1;
	v5 =	vld [tilespmem:$0x1190]  }
0xc5: {  	v6 =	vld [tilespmem:$0x1180];
	v0 =	vadd.f32 v3, v0  }
0xc6: {  	v1 =	vadd.f32 v7, v1;
	v3 =	vld [tilespmem:$0x1210]  }
0xc7: {  	v7 =	vld [tilespmem:$0x1200];
	v0 =	vadd.f32 v2, v0  }
0xc8: {  	v1 =	vadd.f32 v8, v1;
	v2 =	vld [tilespmem:$0x1290]  }
0xc9: {  	v8 =	vld [tilespmem:$0x1280];
	v0 =	vadd.f32 v4, v0  }
0xca: {  	v1 =	vadd.f32 v6, v1;
	v4 =	vld [tilespmem:$0x1310]  }
0xcb: {  	v6 =	vld [tilespmem:$0x1300];
	v0 =	vadd.f32 v5, v0  }
0xcc: {  	v1 =	vadd.f32 v7, v1;
	v5 =	vld [tilespmem:$0x1390]  }
0xcd: {  	v7 =	vld [tilespmem:$0x1380];
	v0 =	vadd.f32 v3, v0  }
0xce: {  	v1 =	vadd.f32 v8, v1;
	v3 =	vld [tilespmem:$0x1410]  }
0xcf: {  	v8 =	vld [tilespmem:$0x1400];
	v0 =	vadd.f32 v2, v0  }
0xd0: {  	v1 =	vadd.f32 v6, v1;
	v2 =	vld [tilespmem:$0x1490]  }
0xd1: {  	v6 =	vld [tilespmem:$0x1480];
	v0 =	vadd.f32 v4, v0  }
0xd2: {  	v1 =	vadd.f32 v7, v1;
	v4 =	vld [tilespmem:$0x1510]  }
0xd3: {  	v7 =	vld [tilespmem:$0x1500];
	v0 =	vadd.f32 v5, v0  }
0xd4: {  	v1 =	vadd.f32 v8, v1;
	v5 =	vld [tilespmem:$0x1590]  }
0xd5: {  	v8 =	vld [tilespmem:$0x1580];
	v0 =	vadd.f32 v3, v0  }
0xd6: {  	v1 =	vadd.f32 v6, v1;
	v3 =	vld [tilespmem:$0x1610]  }
0xd7: {  	v6 =	vld [tilespmem:$0x1600];
	v0 =	vadd.f32 v2, v0  }
0xd8: {  	v1 =	vadd.f32 v7, v1;
	v2 =	vld [tilespmem:$0x1690]  }
0xd9: {  	v7 =	vld [tilespmem:$0x1680];
	v0 =	vadd.f32 v4, v0  }
0xda: {  	v1 =	vadd.f32 v8, v1;
	v4 =	vld [tilespmem:$0x1710]  }
0xdb: {  	v8 =	vld [tilespmem:$0x1700];
	v0 =	vadd.f32 v5, v0  }
0xdc: {  	v1 =	vadd.f32 v6, v1;
	v5 =	vld [tilespmem:$0x1790]  }
0xdd: {  	v6 =	vld [tilespmem:$0x1780];
	v0 =	vadd.f32 v3, v0  }
0xde: {  	v1 =	vadd.f32 v7, v1;
	v3 =	vld [tilespmem:$0x1810]  }
0xdf: {  	v7 =	vld [tilespmem:$0x1800];
	v0 =	vadd.f32 v2, v0  }
0xe0: {  	v1 =	vadd.f32 v8, v1;
	v2 =	vld [tilespmem:$0x1890]  }
0xe1: {  	v8 =	vld [tilespmem:$0x1880];
	v0 =	vadd.f32 v4, v0  }
0xe2: {  	v1 =	vadd.f32 v6, v1  }
0xe3: {  	v0 =	vadd.f32 v5, v0  }
0xe4: {  	v1 =	vadd.f32 v7, v1  }
0xe5: {  	v0 =	vadd.f32 v3, v0  }
.Ltmp1:
0xe6: {  	v1 =	vadd.f32 v8, v1;
	(pc) =	sbr.rel @p0 .LBB2_1-.Ltmp1, $4  }
0xe7: {  	v0 =	vadd.f32 v2, v0  }
0xe8: {  	[tilespmem:$0x1C00] =	vst v1  }
0xe9: {  	[tilespmem:$0x1C10] =	vst v0  }
0xea: {  	[hbm4b:s7+s2] =	stream.linear.scatter [tilespmem:s8], [sflag:$0x1], $0x20, $0x38;
	[tilespmem:$0x1C80] =	vst v63  }
.LBB2_2:
0xeb: {  	_ =	swait.ge [sflag:s3], $0x20  }
0xec: {  	[sflag:s3] =	ssyncset.done $0x0  }
0xed: {  	[sflag:s3] =	ssyncadd.s32 $0xFFFFFFE0  }
0xee: {  	_ =	sfence.sel $0x180000  }
0xef: {  	[bflag:$0x0] =	sbarrier.arrive $0xFFFF  }
0xf0: {  	p0 =	sne.s32 s0, $0x0;
	_ =	strace $0x9000004A  }
0xf1: {  	s0 =	sadd.s32 @!p0 $0x100000, s1;
	[bflag:$0x2] =	sbarrier.arrive $0xFFFF  }
0xf2: {  	[sflag:s0] =	ssyncadd.tile.s32 @!p0 $0x1;
	_ =	shalt  }
.Lfunc_end2:
_tile_overlayer_lowered:
.L_overlay_start_2:
0xf3: {  	(tag) =	ssettag $0x2  }
0xf4: {  	s0 =	rddreg [dreg:$0x0];
	s2 =	stileid.u32  }
0xf5: {  	s1 =	rddreg [dreg:$0x1];
	p0 =	sne.s32 s2, $0x0  }
0xf6: {  	s3 =	rddreg [dreg:$0x2];
	[bflag:$0x3] =	sbarrier.arrive $0xFFFF;
	s2 =	simm.s32 @!p0 $0x1C01  }
0xf7: {  	[timem:s3], [sflag:s2] =	dma.local @!p0 [hbm:s0], s1  }
0xf8: {  	s0 =	simm.s32 @!p0 $0x1  }
0xf9: {  	_ =	swait.ge @!p0 [sflag:s0], s1  }
0xfa: {  	s1 =	ssub.s32 @!p0 $0x0, s1;
	[sflag:s0] =	ssyncset.done @!p0 $0x0  }
0xfb: {  	[sflag:s0] =	ssyncadd.s32 @!p0 s1  }
0xfc: {  	[bflag:$0x3] =	sbarrier.arrive $0xFFFF  }
0xfd: {  	_ =	shalt  }

// kernel: sparse-core-data-format-call.cloned.1.call-start
scs
called_computation_lowered:
.L_overlay_start_0:
0x0: {  	s1 =	sld [smem:$0x3FD9]  }
0x1: {  	s2 =	sld [smem:$0x3FFE];
	_ =	sdelay $0x1  }
0x2: {  	s3 =	srdreg.scid  }
0x3: {  	s0 =	sand.u32 $0x1, s3  }
0x4: {  	s17 =	sshll.u32 s0, $0xA;
	s1 =	sadd.s32 s2, s1  }
0x5: {  	s1 =	sadd.s32 s1, s17  }
0x6: {  	[smem:$0x3FC2] =	sst s1  }
0x7: {  	_ = 	snop  }
0x8: {  	(tm) =	ssettm $0x1  }
0x9: {  	s18 =	sld [smem:$0x3FFB];
	_ =	sdelay $0x3  }
0xa: {  	_ =	strace s18  }
0xb: {  	s1 =	sld [smem:$0x3FFC];
	_ =	sdelay $0x3  }
0xc: {  	_ =	strace s1  }
0xd: {  	s1 =	sld [smem:$0x3FFD];
	_ =	sdelay $0x3  }
0xe: {  	_ =	strace s1  }
0xf: {  	_ =	strace $0x8FFFFFFF  }
0x10: {  	s19 =	sld [smem:$0x3FDB];
	_ =	sdelay $0x1  }
0x11: {  	s20 =	simm.s32 $_scs_section_size  }
0x12: {  	s4 =	simm.s32 $_size__tile_overlayer_lowered;
	s5 =	simm.s32 $_tile_overlayer_lowered  }
0x13: {  	s23 =	simm.s32 $0x1BFF;
	s22 =	sshll.u32 s5, $0x1;
	s1 =	sadd.s32 s20, s19  }
0x14: {  	s6 =	simm.s32 $0x0;
	s21 =	sshll.u32 s4, $0x1;
	s4 =	sadd.s32 s22, s1  }
0x15: {  	[timem:s6], [sflag:s23] =	dma.local [hbm:s4], s21  }
0x16: {  	_ =	swait.ge [sflag:s23], s21  }
0x17: {  	s2 =	ssub.s32 $0x0, s21;
	[sflag:s23] =	ssyncset.done $0x0  }
0x18: {  	[sflag:s23] =	ssyncadd.s32 s2;
	_ =	sdelay $0x1  }
0x19: {  	s24 =	simm.s32 $0x1B8B  }
0x1a: {  	_ =	swait.ge [sflag:s24], $0x1  }
0x1b: {  	[sflag:s24] =	ssyncset.done $0x0  }
0x1c: {  	s26 =	simm.s32 $0x1B8E;
	s25 =	sld [smem:$0x3FFE];
	[sflag:s24] =	ssyncadd.s32 $0xFFFFFFFF  }
0x1d: {  	s27 =	simm.s32 $execute0_lowered;
	[smem:$0x3FD2] =	sst s26  }
0x1e: {  	s4 =	sshll.u32 s27, $0x1;
	_ =	strace $0x80000046;
	[dreg:$0x1] =	wrdreg $0xFFFFFFFF  }
0x1f: {  	s28 =	simm.s32 $_size_execute0_lowered;
	s1 =	sadd.s32 s1, s4;
	[dreg:$0x0] =	wrdreg $0x0  }
0x20: {  	s4 =	sshll.u32 s28, $0x1;
	[dreg:$0x2] =	wrdreg s1  }
0x21: {  	[dreg:$0x3] =	wrdreg s4  }
0x22: {  	[dreg:$0x4] =	wrdreg $0xC0  }
0x23: {  	_ =	task [dreg:s6], $0x5FFFF  }
0x24: {  	[dreg:$0x1] =	wrdreg $0xFFFFFFFF  }
0x25: {  	[dreg:$0x0] =	wrdreg $0x60  }
0x26: {  	[dreg:$0x2] =	wrdreg s25  }
0x27: {  	[dreg:$0x3] =	wrdreg $0x9  }
0x28: {  	_ =	task.clear_ibuf [dreg:s6], $0x4FFFF;
	_ =	strace $0x90000046  }
0x29: {  	s29 =	simm.s32 $0x9;
	_ =	strace $0x80000048  }
0x2a: {  	_ =	swait.ge [sflag:s29], $0x1  }
0x2b: {  	[sflag:s29] =	ssyncadd.s32 $0xFFFFFFFF  }
0x2c: {  	_ =	strace $0x90000048  }
0x2d: {  	_ =	sfence  }
0x2e: {  	s30 =	sld [smem:$0x0];
	_ =	sdelay $0x2  }
0x2f: {  	s31 =	sshll.u32 s3, $0xD;
	s3 =	sshrl.u32 s3, $0x2  }
0x30: {  	s2 =	sand.u32 $0x4000, s31;
	s1 =	sadd.s32 s3, s30  }
0x31: {  	s0 =	sor.u32 s2, s0;
	s1 =	sshll.u32 s1, $0x11  }
0x32: {  	s0 =	sor.u32 s1, s0  }
0x33: {  	s0 =	sadd.s32 $0x8F2B, s0  }
0x34: {  	[sflag:s0] =	ssyncadd.remote.s32 $0x1  }
0x35: {  	_ =	sfence.sel $0xFFFF  }
0x36: {  	[dreg:$0x0] =	wrdreg $0xFFFFFFFF;
	(pc) =	sbr.abs _section_cstart, $3  }
0x37: {  	[dreg:$0x1] =	wrdreg $0xFFFFFFFF  }
0x38: {  	_ =	task.clear_ibuf [dreg:s6], $0x2FFFF;
	_ =	strace $0x9FFFFFFF  }
0x39: {  	(tm) =	ssettm $0x7FFFFFFF  }
tec
execute0_lowered:
.L_overlay_start_1:
0x0: {  	(tag) =	ssettag $0x1  }
0x1: {  	s0 =	stileid.u32  }
0x2: {  	s1 =	srdreg.scid;
	s8 =	rddreg [dreg:$0x0]  }
0x3: {  	s2 =	sshll.u32 s0, $0x7;
	s3 =	sshll.u32 s0, $0x4;
	s4 =	sshll.u32 s1, $0x8  }
0x4: {  	s9 =	simm.s32 $0x2;
	s1 =	sand.u32 $0x380, s2;
	s29 =	sor.u32 s3, s4  }
0x5: {  	s16 =	simm.s32 $0x0;
	s2 =	sand.u32 $0x180, s29;
	s30 =	ssub.s32 $0x400, s1  }
0x6: {  	s10 =	simm.s32 $0x1C000;
	s31 =	sand.u32 $0x380, s30;
	s5 =	ssub.s32 $0x1000, s2  }
0x7: {  	s4 =	simm.s32 $0x1;
	p0 =	sne.s32 s31, $0x0;
	s6 =	sand.u32 $0x180, s5  }
0x8: {  	s4 =	simm.s32 @!p0 $0x0;
	p0 =	sne.s32 s6, $0x0;
	s6 =	simm.s32 $0x1  }
0x9: {  	s3 =	sshrl.u32 s30, $0xA;
	s5 =	sshrl.u32 s5, $0x9;
	s6 =	simm.s32 @!p0 $0x0  }
0xa: {  	s11 =	simm.s32 $0x0;
	s4 =	sadd.s32 s4, s3;
	s5 =	sadd.s32 s6, s5  }
0xb: {  	s17 =	simm.s32 $0x0;
	s18 =	simm.s32 $0x0;
	s5 =	smul.u32 s5, s4  }
.Ltmp0:
0xc: {  	s14 =	simm.s32 $0x0;
	s15 =	simm.s32 $0x0;
	(pc) =	sbr.rel .LBB1_1-.Ltmp0, $4  }
0xd: {  	s7 =	sadd.s32 $0xC81E00, s8;
	s13 =	smov.u32 s1;
	s3 =	rddreg [dreg:$0x1]  }
0xe: {  	_ =	strace $0x80000047;
	s4 =	simm.s32 $0x1;
	s5 =	smul.u32 $0x19, s5  }
0xf: {  	s12 =	smov.u32 s2;
	s6 =	sadd.s32 $0x1E00, s8;
	[sflag:s4] =	ssyncpa.u1 $0x0  }
0x10: {  	s8 =	sadd.s32 $0x41E00, s8;
	[sflag:s9] =	ssyncpa.u1 $0x0;
	s9 =	sadd.s32 $0x1, s5  }
.LBB1_4:
0x11: {  	s22 =	sshll.u32 s18, $0xC  }
0x12: {  	s23 =	sshll.u32 s16, $0x3;
	s22 =	sand.u32 $0xFFFF8000, s22  }
0x13: {  	[tilespmem:s19+$0x30] =	vst v10;
	v8 =	vpack.i.b32.b16 v11, v8;
	s22 =	sadd.s32 s22, s23  }
0x14: {  	v51 =	vunpack.i.l.s16.s32 v5;
	v7 =	vpack.i.b32.b16 v9, v7;
	v52 =	vunpack.i.l.s16.s32 v6;
	[tilespmem:s19+$0xFFFFFFC0] =	vst v8;
	s22 =	sshrl.u32 s22, $0xC  }
0x15: {  	s28 =	sshll.u32 s18, $0x7;
	v53 =	vunpack.i.u.s16.s32 v5;
	v54 =	vunpack.i.u.s16.s32 v6;
	s25 =	sshll.u32 s16, $0x1;
	[tilespmem:s19+$0x40] =	vst v7;
	v55 =	vpack.i.b32.b16 v52, v51;
	s24 =	smulhi.u32 $0x4924925, s22  }
0x16: {  	v56 =	vunpack.i.l.s16.s32 v2;
	v57 =	vunpack.i.l.s16.s32 v3;
	s17 =	smul.u32 $0x3800, s17;
	s18 =	sand.u32 $0x300, s28;
	v5 =	vpack.i.b32.b16 v54, v53;
	[tilespmem:s19+$0xFFFFFFD0] =	vst v55;
	s23 =	sand.u32 $0xC00, s23  }
0x17: {  	v58 =	vunpack.i.l.s16.s32 v4;
	v59 =	vpack.i.b32.b16 v57, v56;
	s29 =	sand.u32 $0xF0, s25;
	[tilespmem:s19+$0x50] =	vst v5;
	s18 =	sor.u32 s18, s23;
	s24 =	smul.u32 $0x38, s24  }
0x18: {  	v60 =	vunpack.i.u.s16.s32 v4;
	s30 =	sand.u32 $0x7, s16;
	v1 =	vpack.i.b32.b16 v1, v58;
	[tilespmem:s19+$0xFFFFFFE0] =	vst v59;
	s18 =	sor.u32 s29, s18  }
0x19: {  	v61 =	vunpack.i.u.s16.s32 v2;
	v62 =	vunpack.i.u.s16.s32 v3;
	v0 =	vpack.i.b32.b16 v0, v60;
	[tilespmem:s19+$0xFFFFFF80] =	vst v1;
	s17 =	sadd.s32 s7, s17;
	s18 =	sshrl.u32 s18, $0x4;
	s22 =	ssub.s32 s22, s24  }
0x1a: {  	v63 =	vpack.i.b32.b16 v62, v61;
	s16 =	sshll.u32 s30, $0x12;
	[tilespmem:s21+$0x0] =	vst v0;
	s17 =	sadd.s32 s18, s17;
	s31 =	sshll.u32 s22, $0x8  }
0x1b: {  	s16 =	sor.u32 $0x80, s16;
	[tilespmem:s21+$0x60] =	vst v63;
	s17 =	sadd.s32 s31, s17  }
0x1c: {  	[hbm4b:s17+s16] =	stream.strided.scatter [tilespmem:s20], [sflag:$0x2], $0x4000, s10, s16, $0x38;
	[tilespmem:$0x10000] =	vst v63  }
.LBB1_5:
0x1d: {  	s19 =	sadd.s32 $0x200, s12  }
0x1e: {  	s16 =	sadd.s32 $0x400, s13;
	s20 =	smov.u32 s13;
	p1 =	sgt.s32 s19, $0xFFF  }
0x1f: {  	s20 =	smov.u32 @p1 s16  }
0x20: {  	s22 =	smov.u32 s14;
	s16 =	sadd.s32 $0x2, s14;
	p2 =	sgt.s32 s20, $0x3FF  }
0x21: {  	s22 =	smov.u32 @p2 s16  }
0x22: {  	s19 =	smov.u32 @p1 s2;
	p1 =	sgt.s32 s22, $0x31  }
0x23: {  	p0 =	slt.u32 s15, $0x2;
	s22 =	simm.s32 @p1 $0x0;
	p1 =	sne.s32 s15, s9  }
.Ltmp1:
0x24: {  	s21 =	simm.s32 @!p0 $0x2;
	(pc) =	sbr.rel @!p1 .LBB1_6-.Ltmp1, $4  }
0x25: {  	s17 =	smov.u32 s13;
	s18 =	smov.u32 s14;
	_ =	swait.ge @!p0 [sflag:s21], $0x4000  }
0x26: {  	s11 =	sadd.s32 $0x8000, s11;
	[sflag:s21] =	ssyncset.done @!p0 $0x0;
	s20 =	smov.u32 @p2 s1  }
0x27: {  	s16 =	smov.u32 s12;
	[sflag:s21] =	ssyncadd.s32 @!p0 $0xFFFFC000;
	s12 =	smov.u32 s19  }
0x28: {  	s13 =	smov.u32 s20;
	s15 =	sadd.s32 $0x1, s15;
	s14 =	smov.u32 s22  }
.LBB1_1:
0x29: {  	p0 =	sge.u32 s15, s5  }
0x2a: {  	s19 =	sshll.u32 @!p0 s13, $0xC;
	s20 =	sshll.u32 @!p0 s12, $0x3;
	s21 =	sshll.u32 @!p0 s13, $0x7  }
0x2b: {  	s22 =	sshll.u32 @!p0 s12, $0x1;
	s25 =	sand.u32 @!p0 $0x7, s12;
	s19 =	sand.u32 @!p0 $0x3F8000, s19  }
0x2c: {  	s21 =	sand.u32 @!p0 $0x300, s21;
	s23 =	sand.u32 @!p0 $0xC00, s20;
	s19 =	sadd.s32 @!p0 s19, s20  }
0x2d: {  	s20 =	sand.u32 @!p0 $0xF0, s22;
	s21 =	sor.u32 @!p0 s21, s23;
	s22 =	sxor.u32 @!p0 $0xFFFFFFFF, s15  }
0x2e: {  	s20 =	sor.u32 @!p0 s20, s21;
	s19 =	sshrl.u32 @!p0 s19, $0x4;
	s21 =	sshll.u32 @!p0 s14, $0x12  }
0x2f: {  	s22 =	sshll.u32 @!p0 s22, $0xE;
	s19 =	sand.u32 @!p0 $0x3FF00, s19;
	s20 =	sshrl.u32 @!p0 s20, $0x4  }
0x30: {  	s22 =	sand.u32 @!p0 $0x4000, s22;
	s23 =	sor.u32 @!p0 s19, s21;
	s24 =	sadd.s32 @!p0 s6, s20  }
0x31: {  	s21 =	sadd.s32 @!p0 s21, s8;
	s23 =	sadd.s32 @!p0 s23, s24;
	s24 =	sshll.u32 @!p0 s25, $0x12  }
0x32: {  	s25 =	simm.s32 @!p0 $0x4000;
	s19 =	sadd.s32 @!p0 s19, s21;
	s24 =	sor.u32 @!p0 $0x200, s24  }
0x33: {  	[tilespmem:s22], [sflag:$0x1] =	stream.strided.gather @!p0 [hbm4b:s23+s24], $0x2000, s25, s24, $0x38;
	[tilespmem:$0x10000] =	vst v63  }
0x34: {  	s31 =	sadd.s32 $0xFFFFFFFF, s15;
	s19 =	sadd.s32 @!p0 s20, s19;
	s20 =	sor.u32 @!p0 $0x2000, s22  }
0x35: {  	[tilespmem:s20], [sflag:$0x1] =	stream.strided.gather @!p0 [hbm4b:s19+s24], $0x2000, s25, s24, $0x38;
	[tilespmem:$0x10000] =	vst v63  }
0x36: {  	p0 =	sge.u32 s31, s5  }
.Ltmp2:
0x37: {  	_ = 	snop;
	(pc) =	sbr.rel @p0 .LBB1_5-.Ltmp2, $1  }
0x38: {  	_ =	sdelay $0x3  }
0x39: {  	s19 =	sshrl.u32 s11, $0x1;
	_ =	swait.ge [sflag:s4], $0x4000  }
0x3a: {  	s19 =	sand.u32 $0x4000, s19;
	[sflag:s4] =	ssyncset.done $0x0  }
0x3b: {  	s21 =	sor.u32 $0x2000, s19;
	[sflag:s4] =	ssyncadd.s32 $0xFFFFC000  }
0x3c: {  	v0 =	vld [tilespmem:s21+$0xFFFFE070]  }
0x3d: {  	v1 =	vld [tilespmem:s21+$0x70]  }
0x3e: {  	v2 =	vld [tilespmem:s21+$0x0]  }
0x3f: {  	v3 =	vld [tilespmem:s21+$0xFFFFE010]  }
0x40: {  	v4 =	vld [tilespmem:s21+$0x10]  }
0x41: {  	v5 =	vld [tilespmem:s21+$0xFFFFE020]  }
0x42: {  	v7 =	vld [tilespmem:s21+$0x20]  }
0x43: {  	v6 =	vunpack.i.l.s16.s32 v0;
	v8 =	vunpack.i.u.s16.s32 v0;
	v9 =	vunpack.i.u.s16.s32 v1  }
0x44: {  	v10 =	vunpack.i.l.s16.s32 v1;
	v0 =	vunpack.i.u.s16.s32 v2;
	v1 =	vunpack.i.l.s16.s32 v2;
	v2 =	vld [tilespmem:s21+$0xFFFFE030]  }
0x45: {  	s19 =	sor.u32 $0x8080, s19;
	v11 =	vld [tilespmem:s21+$0x30];
	v8 =	vpack.i.b32.b16 v9, v8;
	v9 =	vunpack.i.u.s16.s32 v3;
	v3 =	vunpack.i.l.s16.s32 v3  }
0x46: {  	v12 =	vld [tilespmem:s21+$0xFFFFE040];
	v6 =	vpack.i.b32.b16 v10, v6;
	[tilespmem:s19+$0x70] =	vst v8;
	v8 =	vunpack.i.u.s16.s32 v4;
	v4 =	vunpack.i.l.s16.s32 v4  }
0x47: {  	v13 =	vld [tilespmem:s21+$0x40];
	v10 =	vunpack.i.l.s16.s32 v5;
	[tilespmem:s19+$0xFFFFFFF0] =	vst v6;
	v6 =	vunpack.i.l.s16.s32 v7;
	v3 =	vpack.i.b32.b16 v4, v3  }
0x48: {  	v4 =	vunpack.i.u.s16.s32 v5;
	v5 =	vld [tilespmem:s21+$0xFFFFE050];
	[tilespmem:s19+$0xFFFFFF90] =	vst v3;
	v3 =	vpack.i.b32.b16 v8, v9;
	v8 =	vunpack.i.u.s16.s32 v7  }
0x49: {  	[tilespmem:s19+$0x10] =	vst v3;
	v3 =	vpack.i.b32.b16 v6, v10;
	v9 =	vunpack.i.u.s16.s32 v2;
	v7 =	vunpack.i.l.s16.s32 v2;
	v6 =	vld [tilespmem:s21+$0x50]  }
0x4a: {  	s20 =	sshll.u32 s15, $0xE;
	v10 =	vunpack.i.u.s16.s32 v11;
	v2 =	vld [tilespmem:s21+$0xFFFFE060];
	[tilespmem:s19+$0xFFFFFFA0] =	vst v3;
	v3 =	vpack.i.b32.b16 v8, v4;
	v4 =	vunpack.i.l.s16.s32 v11  }
0x4b: {  	s22 =	simm.s32 $0x0;
	s20 =	sand.u32 $0x4000, s20;
	v8 =	vunpack.i.l.s16.s32 v12;
	v10 =	vpack.i.b32.b16 v10, v9;
	[tilespmem:s19+$0x20] =	vst v3;
	v11 =	vpack.i.b32.b16 v4, v7;
	v3 =	vld [tilespmem:s21+$0x60]  }
0x4c: {  	s20 =	sor.u32 $0x8000, s20;
	s23 =	sadd.s32 $0x80, s21;
	v9 =	vunpack.i.u.s16.s32 v13;
	v7 =	vunpack.i.u.s16.s32 v12;
	v4 =	vld [tilespmem:s21+$0xFFFFE000];
	s21 =	smov.u32 s19;
	[tilespmem:s19+$0xFFFFFFB0] =	vst v11;
	v11 =	vunpack.i.l.s16.s32 v13  }
.LBB1_3:
0x4d: {  	v12 =	vld [tilespmem:s23+$0xFFFFE070];
	[tilespmem:s19+$0x30] =	vst v10;
	v8 =	vpack.i.b32.b16 v11, v8;
	v10 =	vunpack.i.u.s16.s32 v5;
	v5 =	vunpack.i.l.s16.s32 v5  }
0x4e: {  	s22 =	sadd.s32 $0x2, s22;
	v7 =	vpack.i.b32.b16 v9, v7;
	v11 =	vld [tilespmem:s23+$0x70];
	[tilespmem:s19+$0xFFFFFFC0] =	vst v8;
	v8 =	vunpack.i.u.s16.s32 v6;
	v6 =	vunpack.i.l.s16.s32 v6  }
0x4f: {  	p0 =	slt.u32 s22, $0x7E;
	v9 =	vld [tilespmem:s23+$0x0];
	[tilespmem:s19+$0x40] =	vst v7;
	v5 =	vpack.i.b32.b16 v6, v5;
	v6 =	vunpack.i.u.s16.s32 v2;
	v2 =	vunpack.i.l.s16.s32 v2  }
0x50: {  	v7 =	vld [tilespmem:s23+$0xFFFFE010];
	[tilespmem:s19+$0xFFFFFFD0] =	vst v5;
	v5 =	vpack.i.b32.b16 v8, v10;
	v8 =	vunpack.i.u.s16.s32 v3;
	v3 =	vunpack.i.l.s16.s32 v3  }
0x51: {  	v13 =	vunpack.i.u.s16.s32 v4;
	v4 =	vunpack.i.l.s16.s32 v4;
	v10 =	vld [tilespmem:s23+$0x10];
	[tilespmem:s19+$0x50] =	vst v5;
	v2 =	vpack.i.b32.b16 v3, v2  }
0x52: {  	v1 =	vpack.i.b32.b16 v1, v4;
	v4 =	vpack.i.b32.b16 v0, v13;
	v3 =	vld [tilespmem:s23+$0xFFFFE020];
	v5 =	vunpack.i.l.s16.s32 v12;
	[tilespmem:s19+$0xFFFFFFE0] =	vst v2  }
0x53: {  	v12 =	vunpack.i.u.s16.s32 v12;
	v2 =	vld [tilespmem:s23+$0x20];
	v13 =	vunpack.i.u.s16.s32 v11;
	v11 =	vunpack.i.l.s16.s32 v11;
	[tilespmem:s19+$0xFFFFFF80] =	vst v1  }
0x54: {  	s19 =	sadd.s32 $0x100, s19;
	v0 =	vunpack.i.u.s16.s32 v9;
	v1 =	vunpack.i.l.s16.s32 v9;
	v9 =	vld [tilespmem:s23+$0xFFFFE030];
	v12 =	vpack.i.b32.b16 v13, v12;
	[tilespmem:s21+$0x0] =	vst v4  }
0x55: {  	v6 =	vpack.i.b32.b16 v8, v6;
	v4 =	vunpack.i.u.s16.s32 v7;
	v7 =	vunpack.i.l.s16.s32 v7;
	v13 =	vld [tilespmem:s23+$0x30];
	[tilespmem:s19+$0x70] =	vst v12  }
0x56: {  	v5 =	vpack.i.b32.b16 v11, v5;
	v8 =	vunpack.i.u.s16.s32 v10;
	v10 =	vunpack.i.l.s16.s32 v10;
	v12 =	vld [tilespmem:s23+$0xFFFFE040];
	[tilespmem:s21+$0x60] =	vst v6;
	s21 =	smov.u32 s19  }
0x57: {  	v6 =	vpack.i.b32.b16 v10, v7;
	v7 =	vunpack.i.u.s16.s32 v3;
	v3 =	vunpack.i.l.s16.s32 v3;
	v11 =	vld [tilespmem:s23+$0x40];
	[tilespmem:s19+$0xFFFFFFF0] =	vst v5  }
.Ltmp3:
0x58: {  	v4 =	vpack.i.b32.b16 v8, v4;
	[tilespmem:s19+$0xFFFFFF90] =	vst v6;
	v8 =	vunpack.i.u.s16.s32 v2;
	v2 =	vunpack.i.l.s16.s32 v2;
	v5 =	vld [tilespmem:s23+$0xFFFFE050];
	(pc) =	sbr.rel @p0 .LBB1_3-.Ltmp3, $4  }
0x59: {  	[tilespmem:s19+$0x10] =	vst v4;
	v2 =	vpack.i.b32.b16 v2, v3;
	v10 =	vunpack.i.u.s16.s32 v9;
	v3 =	vunpack.i.l.s16.s32 v9;
	v6 =	vld [tilespmem:s23+$0x50]  }
0x5a: {  	v4 =	vpack.i.b32.b16 v8, v7;
	[tilespmem:s19+$0xFFFFFFA0] =	vst v2;
	v9 =	vunpack.i.u.s16.s32 v13;
	v7 =	vunpack.i.l.s16.s32 v13;
	v2 =	vld [tilespmem:s23+$0xFFFFE060]  }
0x5b: {  	[tilespmem:s19+$0x20] =	vst v4;
	v13 =	vpack.i.b32.b16 v7, v3;
	v7 =	vunpack.i.u.s16.s32 v12;
	v8 =	vunpack.i.l.s16.s32 v12;
	v3 =	vld [tilespmem:s23+$0x60]  }
0x5c: {  	v10 =	vpack.i.b32.b16 v9, v10;
	v4 =	vld [tilespmem:s23+$0xFFFFE000];
	[tilespmem:s19+$0xFFFFFFB0] =	vst v13;
	v9 =	vunpack.i.u.s16.s32 v11;
	v11 =	vunpack.i.l.s16.s32 v11;
	s23 =	sadd.s32 $0x80, s23  }
.Ltmp4:
0x5d: {  	_ = 	snop;
	(pc) =	sbr.rel .LBB1_4-.Ltmp4, $1  }
0x5e: {  	_ =	sdelay $0x3  }
.LBB1_6:
0x5f: {  	_ =	sfence.sel $0x180000  }
0x60: {  	s1 =	simm.s32 $0x1;
	[bflag:$0x0] =	sbarrier.arrive $0xFFFF  }
0x61: {  	s31 =	simm.s32 $0x2;
	[sflag:s1] =	ssyncpa.u1 $0x1  }
0x62: {  	[sflag:s31] =	ssyncpa.u1 $0x1  }
0x63: {  	p0 =	sne.s32 s0, $0x0;
	_ =	strace $0x90000047  }
0x64: {  	s0 =	sadd.s32 @!p0 $0x100000, s3;
	[bflag:$0x2] =	sbarrier.arrive $0xFFFF  }
0x65: {  	[sflag:s0] =	ssyncadd.tile.s32 @!p0 $0x1;
	_ =	shalt  }
.Lfunc_end1:
_tile_overlayer_lowered:
.L_overlay_start_2:
0x66: {  	(tag) =	ssettag $0x2  }
0x67: {  	s0 =	rddreg [dreg:$0x0];
	s2 =	stileid.u32  }
0x68: {  	s1 =	rddreg [dreg:$0x1];
	p0 =	sne.s32 s2, $0x0  }
0x69: {  	s3 =	rddreg [dreg:$0x2];
	[bflag:$0x3] =	sbarrier.arrive $0xFFFF;
	s2 =	simm.s32 @!p0 $0x1C01  }
0x6a: {  	[timem:s3], [sflag:s2] =	dma.local @!p0 [hbm:s0], s1  }
0x6b: {  	s0 =	simm.s32 @!p0 $0x1  }
0x6c: {  	_ =	swait.ge @!p0 [sflag:s0], s1  }
0x6d: {  	s1 =	ssub.s32 @!p0 $0x0, s1;
	[sflag:s0] =	ssyncset.done @!p0 $0x0  }
0x6e: {  	[sflag:s0] =	ssyncadd.s32 @!p0 s1  }
0x6f: {  	[bflag:$0x3] =	sbarrier.arrive $0xFFFF  }
0x70: {  	_ =	shalt  }

</sc_bundles>
